<compile_context>
chip_gen: v7x
topology: tpu7x:2x2x1
jax: 0.10.2.dev20260603
libtpu: 0.0.44.dev20260713+nightly
codegen_flags: <defaults>
</compile_context>

<pallas_src>
import functools

import jax
import jax.numpy as jnp
from jax import lax
from jax.experimental import pallas as pl
from jax.experimental.pallas import tpu as pltpu
from jax.experimental.pallas import tpu_sc as plsc

N = 10000
D = 128
E = 320000
NC = 2
NS = 16
NW = NC * NS
CH = 80
E_T = E // NW
NCHUNK = E_T // CH
H0 = 64
H1 = NCHUNK - H0
ROWS_A = 624
TAIL_BASE = ROWS_A * NS
ZR = 24


def _sc_body(src_hbm, dst_hbm, x_hbm, out_hbm,
             src_v, dst_v, rows0, rows1, rows2, stage_v, agg_sh,
             semg0, semg1, semg2, sems0, sems1, sems2):
    cid = lax.axis_index("c")
    sid = lax.axis_index("s")

    z16 = jnp.zeros((16,), jnp.float32)

    @pl.loop(0, ZR)
    def _zero(i):
        for l in range(D // 16):
            stage_v[i, pl.ds(l * 16, 16)] = z16

    base = sid * ROWS_A

    for i in range(ROWS_A // ZR):
        pltpu.async_copy(stage_v, agg_sh.at[pl.ds(base + i * ZR, ZR)], semg0)

    @pl.when(sid == NS - 1)
    def _zero_tail():
        pltpu.async_copy(stage_v.at[pl.ds(0, N - TAIL_BASE)],
                         agg_sh.at[pl.ds(TAIL_BASE, N - TAIL_BASE)], semg0)

    pltpu.async_copy(src_hbm.at[cid, sid, pl.ds(0, H0)], src_v, semg1)
    pltpu.async_copy(dst_hbm.at[cid, sid, pl.ds(0, H0)], dst_v, semg2)

    for i in range(ROWS_A // ZR):
        pltpu.make_async_copy(
            stage_v, agg_sh.at[pl.ds(base + i * ZR, ZR)], semg0).wait()

    @pl.when(sid == NS - 1)
    def _zero_tail_wait():
        pltpu.make_async_copy(
            stage_v.at[pl.ds(0, N - TAIL_BASE)],
            agg_sh.at[pl.ds(TAIL_BASE, N - TAIL_BASE)], semg0).wait()

    pltpu.make_async_copy(
        src_hbm.at[cid, sid, pl.ds(0, H0)], src_v, semg1).wait()
    pltpu.make_async_copy(
        dst_hbm.at[cid, sid, pl.ds(0, H0)], dst_v, semg2).wait()

    plsc.subcore_barrier()

    bufs = [(rows0, semg0, sems0), (rows1, semg1, sems1),
            (rows2, semg2, sems2)]

    def gather(k, r):
        b, sg, _ = bufs[r]
        pltpu.async_copy(x_hbm.at[src_v.at[k]], b, sg)

    def wait_gather(k, r):
        b, sg, _ = bufs[r]
        pltpu.make_async_copy(x_hbm.at[src_v.at[k]], b, sg).wait()

    def scatter(k, r):
        b, _, ss = bufs[r]
        pltpu.async_copy(b, agg_sh.at[dst_v.at[k]], ss, add=True)

    def wait_scatter(k, r):
        b, _, ss = bufs[r]
        pltpu.make_async_copy(b, agg_sh.at[dst_v.at[k]], ss).wait()

    def step(k, r, with_gather=True):
        wait_gather(k, r)
        scatter(k, r)
        wait_scatter(k - 1, (r + 2) % 3)
        if with_gather:
            gather(k + 2, (r + 2) % 3)

    def run_half(M):
        gather(0, 0)
        gather(1, 1)
        wait_gather(0, 0)
        scatter(0, 0)
        gather(2, 2)
        last = 1
        while last + 3 + 4 <= M - 1 + 3:
            last += 3
        last -= 3

        @pl.loop(1, last + 1, step=3)
        def _steady(k):
            step(k, 1)
            step(k + 1, 2)
            step(k + 2, 0)

        for k in range(last + 3, M):
            step(k, k % 3, with_gather=(k + 2 <= M - 1))
        wait_scatter(M - 1, (M - 1) % 3)

    run_half(H0)

    pltpu.async_copy(src_hbm.at[cid, sid, pl.ds(H0, H1)],
                     src_v.at[pl.ds(0, H1)], semg0)
    pltpu.async_copy(dst_hbm.at[cid, sid, pl.ds(H0, H1)],
                     dst_v.at[pl.ds(0, H1)], semg1)
    pltpu.make_async_copy(src_hbm.at[cid, sid, pl.ds(H0, H1)],
                          src_v.at[pl.ds(0, H1)], semg0).wait()
    pltpu.make_async_copy(dst_hbm.at[cid, sid, pl.ds(H0, H1)],
                          dst_v.at[pl.ds(0, H1)], semg1).wait()

    run_half(H1)

    plsc.subcore_barrier()

    sl = pl.ds(base, ROWS_A)
    pltpu.sync_copy(agg_sh.at[sl], out_hbm.at[cid].at[sl])

    @pl.when(sid == NS - 1)
    def _write_tail():
        tl = pl.ds(TAIL_BASE, N - TAIL_BASE)
        pltpu.sync_copy(agg_sh.at[tl], out_hbm.at[cid].at[tl])


_sc_scatter = functools.partial(
    pl.kernel,
    out_type=jax.ShapeDtypeStruct((NC, N, D), jnp.float32),
    mesh=plsc.VectorSubcoreMesh(core_axis_name="c", subcore_axis_name="s"),
    scratch_types=[
        pltpu.VMEM((H0, CH), jnp.int32),
        pltpu.VMEM((H0, CH), jnp.int32),
        pltpu.VMEM((CH, D), jnp.float32),
        pltpu.VMEM((CH, D), jnp.float32),
        pltpu.VMEM((CH, D), jnp.float32),
        pltpu.VMEM((ZR, D), jnp.float32),
        pltpu.VMEM_SHARED((N, D), jnp.float32),
        pltpu.SemaphoreType.DMA,
        pltpu.SemaphoreType.DMA,
        pltpu.SemaphoreType.DMA,
        pltpu.SemaphoreType.DMA,
        pltpu.SemaphoreType.DMA,
        pltpu.SemaphoreType.DMA,
    ],
)(_sc_body)


MM_BLK = 2000


def _mm_body(p_ref, w_ref, o_ref):
    acc = p_ref[0] + p_ref[1]
    o_ref[...] = lax.dot_general(
        acc, w_ref[...], (((1,), (1,)), ((), ())),
        preferred_element_type=jnp.float32)


def _tc_matmul(partials, W):
    return pl.pallas_call(
        _mm_body,
        grid=(N // MM_BLK,),
        in_specs=[
            pl.BlockSpec((NC, MM_BLK, D), lambda i: (0, i, 0)),
            pl.BlockSpec((D, D), lambda i: (0, 0)),
        ],
        out_specs=pl.BlockSpec((MM_BLK, D), lambda i: (i, 0)),
        out_shape=jax.ShapeDtypeStruct((N, D), jnp.float32),
    )(partials, W)


@jax.jit
def kernel(x, edge_index, W):
    src = edge_index[0].astype(jnp.int32).reshape(NC, NS, NCHUNK, CH)
    dst = edge_index[1].astype(jnp.int32).reshape(NC, NS, NCHUNK, CH)
    partials = _sc_scatter(src, dst, x)
    return _tc_matmul(partials, W)

# --- scband reference (transcript-rebuilt; emitter-appended) ---
"""Pipeline reference for scband-simple-gcnlayer-67568425501458 (READ-ONLY COPY).

The authoritative reference and input builder live on the scoring server;
editing this copy changes nothing except your own understanding.
"""

import jax, jax.numpy as jnp
import numpy as np


def setup_inputs(seed: int = 0) -> dict:
    key = jax.random.key(seed)
    k1, k2, k3 = jax.random.split(key, 3)
    x = jax.random.normal(k1, (10000, 128), dtype=jnp.float32)
    edge_index = jax.random.randint(k2, (2, 320000), 0, 10000, dtype=jnp.int64)
    # Linear(in=128, out=128, bias=False) weight: [out_channels, in_channels]
    W = jax.random.normal(k3, (128, 128), dtype=jnp.float32) * (1.0 / np.sqrt(128.0))
    return {"x": x, "edge_index": edge_index, "W": W}


def reference(x, edge_index, W):
    src = edge_index[0]
    dst = edge_index[1]
    gathered = jnp.take(x, src, axis=0)          # gather: x[src]
    agg = jnp.zeros_like(x).at[dst].add(gathered)  # scatter-add over dst
    out = agg @ W.T                                # Linear without bias
    return out

if __name__ == "__main__":
    import jax
    _d = setup_inputs()
    print(jax.jit(kernel)(*tuple(_d.values())))

</pallas_src>

<mosaic_0001>
#map = affine_map<(d0, d1) -> (0, 0, 0, 0)>
#map1 = affine_map<(d0, d1) -> (0, 0)>
#map2 = affine_map<(d0, d1) -> (0, 0, 0)>
module attributes {stable_mosaic.version = 14 : i64} {
  func.func @_sc_body(%arg0: i32, %arg1: i32, %arg2: memref<2x16x125x80xi32, #tpu.memory_space<hbm>>, %arg3: memref<2x16x125x80xi32, #tpu.memory_space<hbm>>, %arg4: memref<10000x128xf32, #tpu.memory_space<hbm>>, %arg5: memref<2x10000x128xf32, #tpu.memory_space<hbm>>, %arg6: memref<64x80xi32, #tpu.memory_space<vmem>>, %arg7: memref<64x80xi32, #tpu.memory_space<vmem>>, %arg8: memref<80x128xf32, #tpu.memory_space<vmem>>, %arg9: memref<80x128xf32, #tpu.memory_space<vmem>>, %arg10: memref<80x128xf32, #tpu.memory_space<vmem>>, %arg11: memref<24x128xf32, #tpu.memory_space<vmem>>, %arg12: memref<10000x128xf32, #tpu.memory_space<vmem_shared>>, %arg13: memref<!tpu.dma_semaphore, #tpu.memory_space<semaphore_mem>>, %arg14: memref<!tpu.dma_semaphore, #tpu.memory_space<semaphore_mem>>, %arg15: memref<!tpu.dma_semaphore, #tpu.memory_space<semaphore_mem>>, %arg16: memref<!tpu.dma_semaphore, #tpu.memory_space<semaphore_mem>>, %arg17: memref<!tpu.dma_semaphore, #tpu.memory_space<semaphore_mem>>, %arg18: memref<!tpu.dma_semaphore, #tpu.memory_space<semaphore_mem>>) attributes {dimension_semantics = [#tpu.dimension_semantics<core_parallel>, #tpu.dimension_semantics<subcore_parallel>], iteration_bounds = array<i64: 2, 16>, scalar_prefetch = 0 : i64, scratch_operands = 13 : i64, tpu.core_type = #tpu.core_type<sc_vector_subcore>, window_params = [{transform_indices = #map}, {transform_indices = #map}, {transform_indices = #map1}, {transform_indices = #map2}]} {
    %broadcast_in_dim3A = arith.constant 0.000000e+00 : f32
    %broadcast_in_dim3A_0 = vector.broadcast %broadcast_in_dim3A : f32 to vector<16xf32>
    %scan3A = arith.constant 0 : i32
    %scan3A_1 = arith.constant 24 : i32
    %scan3A_2 = arith.addi %scan3A, %scan3A_1 : i32
    %scan3A_3 = arith.constant 1 : i32
    scf.for %scan3A_650 = %scan3A to %scan3A_2 step %scan3A_3  : i32 {
      %mul3A_651 = arith.constant 1 : i32
      %mul3A_652 = arith.muli %scan3A_650, %mul3A_651 : i32
      %add3A_653 = arith.constant 0 : i32
      %add3A_654 = arith.addi %add3A_653, %mul3A_652 : i32
      %swap3A = arith.index_cast %add3A_654 : i32 to index
      %swap3A_655 = arith.constant 0 : index
      %swap3A_656 = tpu.vector_load %arg11[%swap3A, %swap3A_655] {strides = array<i32>} : memref<24x128xf32, #tpu.memory_space<vmem>>, vector<1x16xf32>,
      %swap3A_657 = vector.shape_cast %swap3A_656 : vector<1x16xf32> to vector<16xf32>
      %swap3A_658 = vector.shape_cast %broadcast_in_dim3A_0 : vector<16xf32> to vector<1x16xf32>
      tpu.vector_store %arg11[%swap3A, %swap3A_655], %swap3A_658 {strides = array<i32>} : memref<24x128xf32, #tpu.memory_space<vmem>>, vector<1x16xf32>,
      %swap3A_659 = arith.index_cast %add3A_654 : i32 to index
      %swap3A_660 = arith.constant 16 : index
      %swap3A_661 = tpu.vector_load %arg11[%swap3A_659, %swap3A_660] {strides = array<i32>} : memref<24x128xf32, #tpu.memory_space<vmem>>, vector<1x16xf32>,
      %swap3A_662 = vector.shape_cast %swap3A_661 : vector<1x16xf32> to vector<16xf32>
      %swap3A_663 = vector.shape_cast %broadcast_in_dim3A_0 : vector<16xf32> to vector<1x16xf32>
      tpu.vector_store %arg11[%swap3A_659, %swap3A_660], %swap3A_663 {strides = array<i32>} : memref<24x128xf32, #tpu.memory_space<vmem>>, vector<1x16xf32>,
      %swap3A_664 = arith.index_cast %add3A_654 : i32 to index
      %swap3A_665 = arith.constant 32 : index
      %swap3A_666 = tpu.vector_load %arg11[%swap3A_664, %swap3A_665] {strides = array<i32>} : memref<24x128xf32, #tpu.memory_space<vmem>>, vector<1x16xf32>,
      %swap3A_667 = vector.shape_cast %swap3A_666 : vector<1x16xf32> to vector<16xf32>
      %swap3A_668 = vector.shape_cast %broadcast_in_dim3A_0 : vector<16xf32> to vector<1x16xf32>
      tpu.vector_store %arg11[%swap3A_664, %swap3A_665], %swap3A_668 {strides = array<i32>} : memref<24x128xf32, #tpu.memory_space<vmem>>, vector<1x16xf32>,
      %swap3A_669 = arith.index_cast %add3A_654 : i32 to index
      %swap3A_670 = arith.constant 48 : index
      %swap3A_671 = tpu.vector_load %arg11[%swap3A_669, %swap3A_670] {strides = array<i32>} : memref<24x128xf32, #tpu.memory_space<vmem>>, vector<1x16xf32>,
      %swap3A_672 = vector.shape_cast %swap3A_671 : vector<1x16xf32> to vector<16xf32>
      %swap3A_673 = vector.shape_cast %broadcast_in_dim3A_0 : vector<16xf32> to vector<1x16xf32>
      tpu.vector_store %arg11[%swap3A_669, %swap3A_670], %swap3A_673 {strides = array<i32>} : memref<24x128xf32, #tpu.memory_space<vmem>>, vector<1x16xf32>,
      %swap3A_674 = arith.index_cast %add3A_654 : i32 to index
      %swap3A_675 = arith.constant 64 : index
      %swap3A_676 = tpu.vector_load %arg11[%swap3A_674, %swap3A_675] {strides = array<i32>} : memref<24x128xf32, #tpu.memory_space<vmem>>, vector<1x16xf32>,
      %swap3A_677 = vector.shape_cast %swap3A_676 : vector<1x16xf32> to vector<16xf32>
      %swap3A_678 = vector.shape_cast %broadcast_in_dim3A_0 : vector<16xf32> to vector<1x16xf32>
      tpu.vector_store %arg11[%swap3A_674, %swap3A_675], %swap3A_678 {strides = array<i32>} : memref<24x128xf32, #tpu.memory_space<vmem>>, vector<1x16xf32>,
      %swap3A_679 = arith.index_cast %add3A_654 : i32 to index
      %swap3A_680 = arith.constant 80 : index
      %swap3A_681 = tpu.vector_load %arg11[%swap3A_679, %swap3A_680] {strides = array<i32>} : memref<24x128xf32, #tpu.memory_space<vmem>>, vector<1x16xf32>,
      %swap3A_682 = vector.shape_cast %swap3A_681 : vector<1x16xf32> to vector<16xf32>
      %swap3A_683 = vector.shape_cast %broadcast_in_dim3A_0 : vector<16xf32> to vector<1x16xf32>
      tpu.vector_store %arg11[%swap3A_679, %swap3A_680], %swap3A_683 {strides = array<i32>} : memref<24x128xf32, #tpu.memory_space<vmem>>, vector<1x16xf32>,
      %swap3A_684 = arith.index_cast %add3A_654 : i32 to index
      %swap3A_685 = arith.constant 96 : index
      %swap3A_686 = tpu.vector_load %arg11[%swap3A_684, %swap3A_685] {strides = array<i32>} : memref<24x128xf32, #tpu.memory_space<vmem>>, vector<1x16xf32>,
      %swap3A_687 = vector.shape_cast %swap3A_686 : vector<1x16xf32> to vector<16xf32>
      %swap3A_688 = vector.shape_cast %broadcast_in_dim3A_0 : vector<16xf32> to vector<1x16xf32>
      tpu.vector_store %arg11[%swap3A_684, %swap3A_685], %swap3A_688 {strides = array<i32>} : memref<24x128xf32, #tpu.memory_space<vmem>>, vector<1x16xf32>,
      %swap3A_689 = arith.index_cast %add3A_654 : i32 to index
      %swap3A_690 = arith.constant 112 : index
      %swap3A_691 = tpu.vector_load %arg11[%swap3A_689, %swap3A_690] {strides = array<i32>} : memref<24x128xf32, #tpu.memory_space<vmem>>, vector<1x16xf32>,
      %swap3A_692 = vector.shape_cast %swap3A_691 : vector<1x16xf32> to vector<16xf32>
      %swap3A_693 = vector.shape_cast %broadcast_in_dim3A_0 : vector<16xf32> to vector<1x16xf32>
      tpu.vector_store %arg11[%swap3A_689, %swap3A_690], %swap3A_693 {strides = array<i32>} : memref<24x128xf32, #tpu.memory_space<vmem>>, vector<1x16xf32>,
    }
    %scan3A_4 = arith.constant 24 : i32
    %mul3A = arith.constant 624 : i32
    %mul3A_5 = arith.muli %arg1, %mul3A : i32
    %add3A = arith.constant 0 : i32
    %add3A_6 = arith.addi %mul3A_5, %add3A : i32
    %dma_start3A = arith.constant 0 : i32
    %dma_start3A_7 = tpu.memref_slice %arg12[%add3A_6, %dma_start3A] : memref<10000x128xf32, #tpu.memory_space<vmem_shared>> -> memref<24x128xf32, #tpu.memory_space<vmem_shared>>
    %dma_start3A_8 = arith.constant 0 : i32
    %dma_start3A_9 = tpu.memref_slice %arg12[%add3A_6, %dma_start3A_8] : memref<10000x128xf32, #tpu.memory_space<vmem_shared>> -> memref<24x128xf32, #tpu.memory_space<vmem_shared>>
    tpu.enqueue_dma source(%arg11 : memref<24x128xf32, #tpu.memory_space<vmem>>) target(%dma_start3A_9 : memref<24x128xf32, #tpu.memory_space<vmem_shared>>) target_semaphore(%arg13 : memref<!tpu.dma_semaphore, #tpu.memory_space<semaphore_mem>>)
    %add3A_10 = arith.constant 24 : i32
    %add3A_11 = arith.addi %mul3A_5, %add3A_10 : i32
    %dma_start3A_12 = arith.constant 0 : i32
    %dma_start3A_13 = tpu.memref_slice %arg12[%add3A_11, %dma_start3A_12] : memref<10000x128xf32, #tpu.memory_space<vmem_shared>> -> memref<24x128xf32, #tpu.memory_space<vmem_shared>>
    %dma_start3A_14 = arith.constant 0 : i32
    %dma_start3A_15 = tpu.memref_slice %arg12[%add3A_11, %dma_start3A_14] : memref<10000x128xf32, #tpu.memory_space<vmem_shared>> -> memref<24x128xf32, #tpu.memory_space<vmem_shared>>
    tpu.enqueue_dma source(%arg11 : memref<24x128xf32, #tpu.memory_space<vmem>>) target(%dma_start3A_15 : memref<24x128xf32, #tpu.memory_space<vmem_shared>>) target_semaphore(%arg13 : memref<!tpu.dma_semaphore, #tpu.memory_space<semaphore_mem>>)
    %add3A_16 = arith.constant 48 : i32
    %add3A_17 = arith.addi %mul3A_5, %add3A_16 : i32
    %dma_start3A_18 = arith.constant 0 : i32
    %dma_start3A_19 = tpu.memref_slice %arg12[%add3A_17, %dma_start3A_18] : memref<10000x128xf32, #tpu.memory_space<vmem_shared>> -> memref<24x128xf32, #tpu.memory_space<vmem_shared>>
    %dma_start3A_20 = arith.constant 0 : i32
    %dma_start3A_21 = tpu.memref_slice %arg12[%add3A_17, %dma_start3A_20] : memref<10000x128xf32, #tpu.memory_space<vmem_shared>> -> memref<24x128xf32, #tpu.memory_space<vmem_shared>>
    tpu.enqueue_dma source(%arg11 : memref<24x128xf32, #tpu.memory_space<vmem>>) target(%dma_start3A_21 : memref<24x128xf32, #tpu.memory_space<vmem_shared>>) target_semaphore(%arg13 : memref<!tpu.dma_semaphore, #tpu.memory_space<semaphore_mem>>)
    %add3A_22 = arith.constant 72 : i32
    %add3A_23 = arith.addi %mul3A_5, %add3A_22 : i32
    %dma_start3A_24 = arith.constant 0 : i32
    %dma_start3A_25 = tpu.memref_slice %arg12[%add3A_23, %dma_start3A_24] : memref<10000x128xf32, #tpu.memory_space<vmem_shared>> -> memref<24x128xf32, #tpu.memory_space<vmem_shared>>
    %dma_start3A_26 = arith.constant 0 : i32
    %dma_start3A_27 = tpu.memref_slice %arg12[%add3A_23, %dma_start3A_26] : memref<10000x128xf32, #tpu.memory_space<vmem_shared>> -> memref<24x128xf32, #tpu.memory_space<vmem_shared>>
    tpu.enqueue_dma source(%arg11 : memref<24x128xf32, #tpu.memory_space<vmem>>) target(%dma_start3A_27 : memref<24x128xf32, #tpu.memory_space<vmem_shared>>) target_semaphore(%arg13 : memref<!tpu.dma_semaphore, #tpu.memory_space<semaphore_mem>>)
    %add3A_28 = arith.constant 96 : i32
    %add3A_29 = arith.addi %mul3A_5, %add3A_28 : i32
    %dma_start3A_30 = arith.constant 0 : i32
    %dma_start3A_31 = tpu.memref_slice %arg12[%add3A_29, %dma_start3A_30] : memref<10000x128xf32, #tpu.memory_space<vmem_shared>> -> memref<24x128xf32, #tpu.memory_space<vmem_shared>>
    %dma_start3A_32 = arith.constant 0 : i32
    %dma_start3A_33 = tpu.memref_slice %arg12[%add3A_29, %dma_start3A_32] : memref<10000x128xf32, #tpu.memory_space<vmem_shared>> -> memref<24x128xf32, #tpu.memory_space<vmem_shared>>
    tpu.enqueue_dma source(%arg11 : memref<24x128xf32, #tpu.memory_space<vmem>>) target(%dma_start3A_33 : memref<24x128xf32, #tpu.memory_space<vmem_shared>>) target_semaphore(%arg13 : memref<!tpu.dma_semaphore, #tpu.memory_space<semaphore_mem>>)
    %add3A_34 = arith.constant 120 : i32
    %add3A_35 = arith.addi %mul3A_5, %add3A_34 : i32
    %dma_start3A_36 = arith.constant 0 : i32
    %dma_start3A_37 = tpu.memref_slice %arg12[%add3A_35, %dma_start3A_36] : memref<10000x128xf32, #tpu.memory_space<vmem_shared>> -> memref<24x128xf32, #tpu.memory_space<vmem_shared>>
    %dma_start3A_38 = arith.constant 0 : i32
    %dma_start3A_39 = tpu.memref_slice %arg12[%add3A_35, %dma_start3A_38] : memref<10000x128xf32, #tpu.memory_space<vmem_shared>> -> memref<24x128xf32, #tpu.memory_space<vmem_shared>>
    tpu.enqueue_dma source(%arg11 : memref<24x128xf32, #tpu.memory_space<vmem>>) target(%dma_start3A_39 : memref<24x128xf32, #tpu.memory_space<vmem_shared>>) target_semaphore(%arg13 : memref<!tpu.dma_semaphore, #tpu.memory_space<semaphore_mem>>)
    %add3A_40 = arith.constant 144 : i32
    %add3A_41 = arith.addi %mul3A_5, %add3A_40 : i32
    %dma_start3A_42 = arith.constant 0 : i32
    %dma_start3A_43 = tpu.memref_slice %arg12[%add3A_41, %dma_start3A_42] : memref<10000x128xf32, #tpu.memory_space<vmem_shared>> -> memref<24x128xf32, #tpu.memory_space<vmem_shared>>
    %dma_start3A_44 = arith.constant 0 : i32
    %dma_start3A_45 = tpu.memref_slice %arg12[%add3A_41, %dma_start3A_44] : memref<10000x128xf32, #tpu.memory_space<vmem_shared>> -> memref<24x128xf32, #tpu.memory_space<vmem_shared>>
    tpu.enqueue_dma source(%arg11 : memref<24x128xf32, #tpu.memory_space<vmem>>) target(%dma_start3A_45 : memref<24x128xf32, #tpu.memory_space<vmem_shared>>) target_semaphore(%arg13 : memref<!tpu.dma_semaphore, #tpu.memory_space<semaphore_mem>>)
    %add3A_46 = arith.constant 168 : i32
    %add3A_47 = arith.addi %mul3A_5, %add3A_46 : i32
    %dma_start3A_48 = arith.constant 0 : i32
    %dma_start3A_49 = tpu.memref_slice %arg12[%add3A_47, %dma_start3A_48] : memref<10000x128xf32, #tpu.memory_space<vmem_shared>> -> memref<24x128xf32, #tpu.memory_space<vmem_shared>>
    %dma_start3A_50 = arith.constant 0 : i32
    %dma_start3A_51 = tpu.memref_slice %arg12[%add3A_47, %dma_start3A_50] : memref<10000x128xf32, #tpu.memory_space<vmem_shared>> -> memref<24x128xf32, #tpu.memory_space<vmem_shared>>
    tpu.enqueue_dma source(%arg11 : memref<24x128xf32, #tpu.memory_space<vmem>>) target(%dma_start3A_51 : memref<24x128xf32, #tpu.memory_space<vmem_shared>>) target_semaphore(%arg13 : memref<!tpu.dma_semaphore, #tpu.memory_space<semaphore_mem>>)
    %add3A_52 = arith.constant 192 : i32
    %add3A_53 = arith.addi %mul3A_5, %add3A_52 : i32
    %dma_start3A_54 = arith.constant 0 : i32
    %dma_start3A_55 = tpu.memref_slice %arg12[%add3A_53, %dma_start3A_54] : memref<10000x128xf32, #tpu.memory_space<vmem_shared>> -> memref<24x128xf32, #tpu.memory_space<vmem_shared>>
    %dma_start3A_56 = arith.constant 0 : i32
    %dma_start3A_57 = tpu.memref_slice %arg12[%add3A_53, %dma_start3A_56] : memref<10000x128xf32, #tpu.memory_space<vmem_shared>> -> memref<24x128xf32, #tpu.memory_space<vmem_shared>>
    tpu.enqueue_dma source(%arg11 : memref<24x128xf32, #tpu.memory_space<vmem>>) target(%dma_start3A_57 : memref<24x128xf32, #tpu.memory_space<vmem_shared>>) target_semaphore(%arg13 : memref<!tpu.dma_semaphore, #tpu.memory_space<semaphore_mem>>)
    %add3A_58 = arith.constant 216 : i32
    %add3A_59 = arith.addi %mul3A_5, %add3A_58 : i32
    %dma_start3A_60 = arith.constant 0 : i32
    %dma_start3A_61 = tpu.memref_slice %arg12[%add3A_59, %dma_start3A_60] : memref<10000x128xf32, #tpu.memory_space<vmem_shared>> -> memref<24x128xf32, #tpu.memory_space<vmem_shared>>
    %dma_start3A_62 = arith.constant 0 : i32
    %dma_start3A_63 = tpu.memref_slice %arg12[%add3A_59, %dma_start3A_62] : memref<10000x128xf32, #tpu.memory_space<vmem_shared>> -> memref<24x128xf32, #tpu.memory_space<vmem_shared>>
    tpu.enqueue_dma source(%arg11 : memref<24x128xf32, #tpu.memory_space<vmem>>) target(%dma_start3A_63 : memref<24x128xf32, #tpu.memory_space<vmem_shared>>) target_semaphore(%arg13 : memref<!tpu.dma_semaphore, #tpu.memory_space<semaphore_mem>>)
    %add3A_64 = arith.constant 240 : i32
    %add3A_65 = arith.addi %mul3A_5, %add3A_64 : i32
    %dma_start3A_66 = arith.constant 0 : i32
    %dma_start3A_67 = tpu.memref_slice %arg12[%add3A_65, %dma_start3A_66] : memref<10000x128xf32, #tpu.memory_space<vmem_shared>> -> memref<24x128xf32, #tpu.memory_space<vmem_shared>>
    %dma_start3A_68 = arith.constant 0 : i32
    %dma_start3A_69 = tpu.memref_slice %arg12[%add3A_65, %dma_start3A_68] : memref<10000x128xf32, #tpu.memory_space<vmem_shared>> -> memref<24x128xf32, #tpu.memory_space<vmem_shared>>
    tpu.enqueue_dma source(%arg11 : memref<24x128xf32, #tpu.memory_space<vmem>>) target(%dma_start3A_69 : memref<24x128xf32, #tpu.memory_space<vmem_shared>>) target_semaphore(%arg13 : memref<!tpu.dma_semaphore, #tpu.memory_space<semaphore_mem>>)
    %add3A_70 = arith.constant 264 : i32
    %add3A_71 = arith.addi %mul3A_5, %add3A_70 : i32
    %dma_start3A_72 = arith.constant 0 : i32
    %dma_start3A_73 = tpu.memref_slice %arg12[%add3A_71, %dma_start3A_72] : memref<10000x128xf32, #tpu.memory_space<vmem_shared>> -> memref<24x128xf32, #tpu.memory_space<vmem_shared>>
    %dma_start3A_74 = arith.constant 0 : i32
    %dma_start3A_75 = tpu.memref_slice %arg12[%add3A_71, %dma_start3A_74] : memref<10000x128xf32, #tpu.memory_space<vmem_shared>> -> memref<24x128xf32, #tpu.memory_space<vmem_shared>>
    tpu.enqueue_dma source(%arg11 : memref<24x128xf32, #tpu.memory_space<vmem>>) target(%dma_start3A_75 : memref<24x128xf32, #tpu.memory_space<vmem_shared>>) target_semaphore(%arg13 : memref<!tpu.dma_semaphore, #tpu.memory_space<semaphore_mem>>)
    %add3A_76 = arith.constant 288 : i32
    %add3A_77 = arith.addi %mul3A_5, %add3A_76 : i32
    %dma_start3A_78 = arith.constant 0 : i32
    %dma_start3A_79 = tpu.memref_slice %arg12[%add3A_77, %dma_start3A_78] : memref<10000x128xf32, #tpu.memory_space<vmem_shared>> -> memref<24x128xf32, #tpu.memory_space<vmem_shared>>
    %dma_start3A_80 = arith.constant 0 : i32
    %dma_start3A_81 = tpu.memref_slice %arg12[%add3A_77, %dma_start3A_80] : memref<10000x128xf32, #tpu.memory_space<vmem_shared>> -> memref<24x128xf32, #tpu.memory_space<vmem_shared>>
    tpu.enqueue_dma source(%arg11 : memref<24x128xf32, #tpu.memory_space<vmem>>) target(%dma_start3A_81 : memref<24x128xf32, #tpu.memory_space<vmem_shared>>) target_semaphore(%arg13 : memref<!tpu.dma_semaphore, #tpu.memory_space<semaphore_mem>>)
    %add3A_82 = arith.constant 312 : i32
    %add3A_83 = arith.addi %mul3A_5, %add3A_82 : i32
    %dma_start3A_84 = arith.constant 0 : i32
    %dma_start3A_85 = tpu.memref_slice %arg12[%add3A_83, %dma_start3A_84] : memref<10000x128xf32, #tpu.memory_space<vmem_shared>> -> memref<24x128xf32, #tpu.memory_space<vmem_shared>>
    %dma_start3A_86 = arith.constant 0 : i32
    %dma_start3A_87 = tpu.memref_slice %arg12[%add3A_83, %dma_start3A_86] : memref<10000x128xf32, #tpu.memory_space<vmem_shared>> -> memref<24x128xf32, #tpu.memory_space<vmem_shared>>
    tpu.enqueue_dma source(%arg11 : memref<24x128xf32, #tpu.memory_space<vmem>>) target(%dma_start3A_87 : memref<24x128xf32, #tpu.memory_space<vmem_shared>>) target_semaphore(%arg13 : memref<!tpu.dma_semaphore, #tpu.memory_space<semaphore_mem>>)
    %add3A_88 = arith.constant 336 : i32
    %add3A_89 = arith.addi %mul3A_5, %add3A_88 : i32
    %dma_start3A_90 = arith.constant 0 : i32
    %dma_start3A_91 = tpu.memref_slice %arg12[%add3A_89, %dma_start3A_90] : memref<10000x128xf32, #tpu.memory_space<vmem_shared>> -> memref<24x128xf32, #tpu.memory_space<vmem_shared>>
    %dma_start3A_92 = arith.constant 0 : i32
    %dma_start3A_93 = tpu.memref_slice %arg12[%add3A_89, %dma_start3A_92] : memref<10000x128xf32, #tpu.memory_space<vmem_shared>> -> memref<24x128xf32, #tpu.memory_space<vmem_shared>>
    tpu.enqueue_dma source(%arg11 : memref<24x128xf32, #tpu.memory_space<vmem>>) target(%dma_start3A_93 : memref<24x128xf32, #tpu.memory_space<vmem_shared>>) target_semaphore(%arg13 : memref<!tpu.dma_semaphore, #tpu.memory_space<semaphore_mem>>)
    %add3A_94 = arith.constant 360 : i32
    %add3A_95 = arith.addi %mul3A_5, %add3A_94 : i32
    %dma_start3A_96 = arith.constant 0 : i32
    %dma_start3A_97 = tpu.memref_slice %arg12[%add3A_95, %dma_start3A_96] : memref<10000x128xf32, #tpu.memory_space<vmem_shared>> -> memref<24x128xf32, #tpu.memory_space<vmem_shared>>
    %dma_start3A_98 = arith.constant 0 : i32
    %dma_start3A_99 = tpu.memref_slice %arg12[%add3A_95, %dma_start3A_98] : memref<10000x128xf32, #tpu.memory_space<vmem_shared>> -> memref<24x128xf32, #tpu.memory_space<vmem_shared>>
    tpu.enqueue_dma source(%arg11 : memref<24x128xf32, #tpu.memory_space<vmem>>) target(%dma_start3A_99 : memref<24x128xf32, #tpu.memory_space<vmem_shared>>) target_semaphore(%arg13 : memref<!tpu.dma_semaphore, #tpu.memory_space<semaphore_mem>>)
    %add3A_100 = arith.constant 384 : i32
    %add3A_101 = arith.addi %mul3A_5, %add3A_100 : i32
    %dma_start3A_102 = arith.constant 0 : i32
    %dma_start3A_103 = tpu.memref_slice %arg12[%add3A_101, %dma_start3A_102] : memref<10000x128xf32, #tpu.memory_space<vmem_shared>> -> memref<24x128xf32, #tpu.memory_space<vmem_shared>>
    %dma_start3A_104 = arith.constant 0 : i32
    %dma_start3A_105 = tpu.memref_slice %arg12[%add3A_101, %dma_start3A_104] : memref<10000x128xf32, #tpu.memory_space<vmem_shared>> -> memref<24x128xf32, #tpu.memory_space<vmem_shared>>
    tpu.enqueue_dma source(%arg11 : memref<24x128xf32, #tpu.memory_space<vmem>>) target(%dma_start3A_105 : memref<24x128xf32, #tpu.memory_space<vmem_shared>>) target_semaphore(%arg13 : memref<!tpu.dma_semaphore, #tpu.memory_space<semaphore_mem>>)
    %add3A_106 = arith.constant 408 : i32
    %add3A_107 = arith.addi %mul3A_5, %add3A_106 : i32
    %dma_start3A_108 = arith.constant 0 : i32
    %dma_start3A_109 = tpu.memref_slice %arg12[%add3A_107, %dma_start3A_108] : memref<10000x128xf32, #tpu.memory_space<vmem_shared>> -> memref<24x128xf32, #tpu.memory_space<vmem_shared>>
    %dma_start3A_110 = arith.constant 0 : i32
    %dma_start3A_111 = tpu.memref_slice %arg12[%add3A_107, %dma_start3A_110] : memref<10000x128xf32, #tpu.memory_space<vmem_shared>> -> memref<24x128xf32, #tpu.memory_space<vmem_shared>>
    tpu.enqueue_dma source(%arg11 : memref<24x128xf32, #tpu.memory_space<vmem>>) target(%dma_start3A_111 : memref<24x128xf32, #tpu.memory_space<vmem_shared>>) target_semaphore(%arg13 : memref<!tpu.dma_semaphore, #tpu.memory_space<semaphore_mem>>)
    %add3A_112 = arith.constant 432 : i32
    %add3A_113 = arith.addi %mul3A_5, %add3A_112 : i32
    %dma_start3A_114 = arith.constant 0 : i32
    %dma_start3A_115 = tpu.memref_slice %arg12[%add3A_113, %dma_start3A_114] : memref<10000x128xf32, #tpu.memory_space<vmem_shared>> -> memref<24x128xf32, #tpu.memory_space<vmem_shared>>
    %dma_start3A_116 = arith.constant 0 : i32
    %dma_start3A_117 = tpu.memref_slice %arg12[%add3A_113, %dma_start3A_116] : memref<10000x128xf32, #tpu.memory_space<vmem_shared>> -> memref<24x128xf32, #tpu.memory_space<vmem_shared>>
    tpu.enqueue_dma source(%arg11 : memref<24x128xf32, #tpu.memory_space<vmem>>) target(%dma_start3A_117 : memref<24x128xf32, #tpu.memory_space<vmem_shared>>) target_semaphore(%arg13 : memref<!tpu.dma_semaphore, #tpu.memory_space<semaphore_mem>>)
    %add3A_118 = arith.constant 456 : i32
    %add3A_119 = arith.addi %mul3A_5, %add3A_118 : i32
    %dma_start3A_120 = arith.constant 0 : i32
    %dma_start3A_121 = tpu.memref_slice %arg12[%add3A_119, %dma_start3A_120] : memref<10000x128xf32, #tpu.memory_space<vmem_shared>> -> memref<24x128xf32, #tpu.memory_space<vmem_shared>>
    %dma_start3A_122 = arith.constant 0 : i32
    %dma_start3A_123 = tpu.memref_slice %arg12[%add3A_119, %dma_start3A_122] : memref<10000x128xf32, #tpu.memory_space<vmem_shared>> -> memref<24x128xf32, #tpu.memory_space<vmem_shared>>
    tpu.enqueue_dma source(%arg11 : memref<24x128xf32, #tpu.memory_space<vmem>>) target(%dma_start3A_123 : memref<24x128xf32, #tpu.memory_space<vmem_shared>>) target_semaphore(%arg13 : memref<!tpu.dma_semaphore, #tpu.memory_space<semaphore_mem>>)
    %add3A_124 = arith.constant 480 : i32
    %add3A_125 = arith.addi %mul3A_5, %add3A_124 : i32
    %dma_start3A_126 = arith.constant 0 : i32
    %dma_start3A_127 = tpu.memref_slice %arg12[%add3A_125, %dma_start3A_126] : memref<10000x128xf32, #tpu.memory_space<vmem_shared>> -> memref<24x128xf32, #tpu.memory_space<vmem_shared>>
    %dma_start3A_128 = arith.constant 0 : i32
    %dma_start3A_129 = tpu.memref_slice %arg12[%add3A_125, %dma_start3A_128] : memref<10000x128xf32, #tpu.memory_space<vmem_shared>> -> memref<24x128xf32, #tpu.memory_space<vmem_shared>>
    tpu.enqueue_dma source(%arg11 : memref<24x128xf32, #tpu.memory_space<vmem>>) target(%dma_start3A_129 : memref<24x128xf32, #tpu.memory_space<vmem_shared>>) target_semaphore(%arg13 : memref<!tpu.dma_semaphore, #tpu.memory_space<semaphore_mem>>)
    %add3A_130 = arith.constant 504 : i32
    %add3A_131 = arith.addi %mul3A_5, %add3A_130 : i32
    %dma_start3A_132 = arith.constant 0 : i32
    %dma_start3A_133 = tpu.memref_slice %arg12[%add3A_131, %dma_start3A_132] : memref<10000x128xf32, #tpu.memory_space<vmem_shared>> -> memref<24x128xf32, #tpu.memory_space<vmem_shared>>
    %dma_start3A_134 = arith.constant 0 : i32
    %dma_start3A_135 = tpu.memref_slice %arg12[%add3A_131, %dma_start3A_134] : memref<10000x128xf32, #tpu.memory_space<vmem_shared>> -> memref<24x128xf32, #tpu.memory_space<vmem_shared>>
    tpu.enqueue_dma source(%arg11 : memref<24x128xf32, #tpu.memory_space<vmem>>) target(%dma_start3A_135 : memref<24x128xf32, #tpu.memory_space<vmem_shared>>) target_semaphore(%arg13 : memref<!tpu.dma_semaphore, #tpu.memory_space<semaphore_mem>>)
    %add3A_136 = arith.constant 528 : i32
    %add3A_137 = arith.addi %mul3A_5, %add3A_136 : i32
    %dma_start3A_138 = arith.constant 0 : i32
    %dma_start3A_139 = tpu.memref_slice %arg12[%add3A_137, %dma_start3A_138] : memref<10000x128xf32, #tpu.memory_space<vmem_shared>> -> memref<24x128xf32, #tpu.memory_space<vmem_shared>>
    %dma_start3A_140 = arith.constant 0 : i32
    %dma_start3A_141 = tpu.memref_slice %arg12[%add3A_137, %dma_start3A_140] : memref<10000x128xf32, #tpu.memory_space<vmem_shared>> -> memref<24x128xf32, #tpu.memory_space<vmem_shared>>
    tpu.enqueue_dma source(%arg11 : memref<24x128xf32, #tpu.memory_space<vmem>>) target(%dma_start3A_141 : memref<24x128xf32, #tpu.memory_space<vmem_shared>>) target_semaphore(%arg13 : memref<!tpu.dma_semaphore, #tpu.memory_space<semaphore_mem>>)
    %add3A_142 = arith.constant 552 : i32
    %add3A_143 = arith.addi %mul3A_5, %add3A_142 : i32
    %dma_start3A_144 = arith.constant 0 : i32
    %dma_start3A_145 = tpu.memref_slice %arg12[%add3A_143, %dma_start3A_144] : memref<10000x128xf32, #tpu.memory_space<vmem_shared>> -> memref<24x128xf32, #tpu.memory_space<vmem_shared>>
    %dma_start3A_146 = arith.constant 0 : i32
    %dma_start3A_147 = tpu.memref_slice %arg12[%add3A_143, %dma_start3A_146] : memref<10000x128xf32, #tpu.memory_space<vmem_shared>> -> memref<24x128xf32, #tpu.memory_space<vmem_shared>>
    tpu.enqueue_dma source(%arg11 : memref<24x128xf32, #tpu.memory_space<vmem>>) target(%dma_start3A_147 : memref<24x128xf32, #tpu.memory_space<vmem_shared>>) target_semaphore(%arg13 : memref<!tpu.dma_semaphore, #tpu.memory_space<semaphore_mem>>)
    %add3A_148 = arith.constant 576 : i32
    %add3A_149 = arith.addi %mul3A_5, %add3A_148 : i32
    %dma_start3A_150 = arith.constant 0 : i32
    %dma_start3A_151 = tpu.memref_slice %arg12[%add3A_149, %dma_start3A_150] : memref<10000x128xf32, #tpu.memory_space<vmem_shared>> -> memref<24x128xf32, #tpu.memory_space<vmem_shared>>
    %dma_start3A_152 = arith.constant 0 : i32
    %dma_start3A_153 = tpu.memref_slice %arg12[%add3A_149, %dma_start3A_152] : memref<10000x128xf32, #tpu.memory_space<vmem_shared>> -> memref<24x128xf32, #tpu.memory_space<vmem_shared>>
    tpu.enqueue_dma source(%arg11 : memref<24x128xf32, #tpu.memory_space<vmem>>) target(%dma_start3A_153 : memref<24x128xf32, #tpu.memory_space<vmem_shared>>) target_semaphore(%arg13 : memref<!tpu.dma_semaphore, #tpu.memory_space<semaphore_mem>>)
    %add3A_154 = arith.constant 600 : i32
    %add3A_155 = arith.addi %mul3A_5, %add3A_154 : i32
    %dma_start3A_156 = arith.constant 0 : i32
    %dma_start3A_157 = tpu.memref_slice %arg12[%add3A_155, %dma_start3A_156] : memref<10000x128xf32, #tpu.memory_space<vmem_shared>> -> memref<24x128xf32, #tpu.memory_space<vmem_shared>>
    %dma_start3A_158 = arith.constant 0 : i32
    %dma_start3A_159 = tpu.memref_slice %arg12[%add3A_155, %dma_start3A_158] : memref<10000x128xf32, #tpu.memory_space<vmem_shared>> -> memref<24x128xf32, #tpu.memory_space<vmem_shared>>
    tpu.enqueue_dma source(%arg11 : memref<24x128xf32, #tpu.memory_space<vmem>>) target(%dma_start3A_159 : memref<24x128xf32, #tpu.memory_space<vmem_shared>>) target_semaphore(%arg13 : memref<!tpu.dma_semaphore, #tpu.memory_space<semaphore_mem>>)
    %eq3A = arith.constant 15 : i32
    %eq3A_160 = arith.cmpi eq, %arg1, %eq3A : i32
    %convert_element_type3A = arith.extui %eq3A_160 : i1 to i32
    %cond3A = arith.constant 0 : i32
    %cond3A_161 = arith.cmpi ne, %convert_element_type3A, %cond3A : i32
    scf.if %cond3A_161 {
      %dma_start3A_650 = arith.constant 0 : i32
      %dma_start3A_651 = arith.constant 0 : i32
      %dma_start3A_652 = tpu.memref_slice %arg11[%dma_start3A_650, %dma_start3A_651] : memref<24x128xf32, #tpu.memory_space<vmem>> -> memref<16x128xf32, #tpu.memory_space<vmem>>
      %dma_start3A_653 = arith.constant 9984 : i32
      %dma_start3A_654 = arith.constant 0 : i32
      %dma_start3A_655 = tpu.memref_slice %arg12[%dma_start3A_653, %dma_start3A_654] : memref<10000x128xf32, #tpu.memory_space<vmem_shared>> -> memref<16x128xf32, #tpu.memory_space<vmem_shared>>
      %dma_start3A_656 = arith.constant 9984 : i32
      %dma_start3A_657 = arith.constant 0 : i32
      %dma_start3A_658 = tpu.memref_slice %arg12[%dma_start3A_656, %dma_start3A_657] : memref<10000x128xf32, #tpu.memory_space<vmem_shared>> -> memref<16x128xf32, #tpu.memory_space<vmem_shared>>
      %dma_start3A_659 = arith.constant 0 : i32
      %dma_start3A_660 = arith.constant 0 : i32
      %dma_start3A_661 = tpu.memref_slice %arg11[%dma_start3A_659, %dma_start3A_660] : memref<24x128xf32, #tpu.memory_space<vmem>> -> memref<16x128xf32, #tpu.memory_space<vmem>>
      tpu.enqueue_dma source(%dma_start3A_661 : memref<16x128xf32, #tpu.memory_space<vmem>>) target(%dma_start3A_658 : memref<16x128xf32, #tpu.memory_space<vmem_shared>>) target_semaphore(%arg13 : memref<!tpu.dma_semaphore, #tpu.memory_space<semaphore_mem>>)
    } else {
    }
    %dma_start3A_162 = arith.constant 0 : i32
    %dma_start3A_163 = arith.constant 0 : i32
    %dma_start3A_164 = tpu.memref_slice %arg2[%arg0, %arg1, %dma_start3A_162, %dma_start3A_163] : memref<2x16x125x80xi32, #tpu.memory_space<hbm>> -> memref<1x1x64x80xi32, #tpu.memory_space<hbm>>
    %dma_start3A_165 = tpu.memref_squeeze %dma_start3A_164 : memref<1x1x64x80xi32, #tpu.memory_space<hbm>> -> memref<64x80xi32, #tpu.memory_space<hbm>>
    %dma_start3A_166 = arith.constant 0 : i32
    %dma_start3A_167 = arith.constant 0 : i32
    %dma_start3A_168 = tpu.memref_slice %arg2[%arg0, %arg1, %dma_start3A_166, %dma_start3A_167] : memref<2x16x125x80xi32, #tpu.memory_space<hbm>> -> memref<1x1x64x80xi32, #tpu.memory_space<hbm>>
    %dma_start3A_169 = tpu.memref_squeeze %dma_start3A_168 : memref<1x1x64x80xi32, #tpu.memory_space<hbm>> -> memref<64x80xi32, #tpu.memory_space<hbm>>
    tpu.enqueue_dma source(%dma_start3A_169 : memref<64x80xi32, #tpu.memory_space<hbm>>) target(%arg6 : memref<64x80xi32, #tpu.memory_space<vmem>>) target_semaphore(%arg14 : memref<!tpu.dma_semaphore, #tpu.memory_space<semaphore_mem>>)
    %dma_start3A_170 = arith.constant 0 : i32
    %dma_start3A_171 = arith.constant 0 : i32
    %dma_start3A_172 = tpu.memref_slice %arg3[%arg0, %arg1, %dma_start3A_170, %dma_start3A_171] : memref<2x16x125x80xi32, #tpu.memory_space<hbm>> -> memref<1x1x64x80xi32, #tpu.memory_space<hbm>>
    %dma_start3A_173 = tpu.memref_squeeze %dma_start3A_172 : memref<1x1x64x80xi32, #tpu.memory_space<hbm>> -> memref<64x80xi32, #tpu.memory_space<hbm>>
    %dma_start3A_174 = arith.constant 0 : i32
    %dma_start3A_175 = arith.constant 0 : i32
    %dma_start3A_176 = tpu.memref_slice %arg3[%arg0, %arg1, %dma_start3A_174, %dma_start3A_175] : memref<2x16x125x80xi32, #tpu.memory_space<hbm>> -> memref<1x1x64x80xi32, #tpu.memory_space<hbm>>
    %dma_start3A_177 = tpu.memref_squeeze %dma_start3A_176 : memref<1x1x64x80xi32, #tpu.memory_space<hbm>> -> memref<64x80xi32, #tpu.memory_space<hbm>>
    tpu.enqueue_dma source(%dma_start3A_177 : memref<64x80xi32, #tpu.memory_space<hbm>>) target(%arg7 : memref<64x80xi32, #tpu.memory_space<vmem>>) target_semaphore(%arg15 : memref<!tpu.dma_semaphore, #tpu.memory_space<semaphore_mem>>)
    %add3A_178 = arith.constant 0 : i32
    %add3A_179 = arith.addi %mul3A_5, %add3A_178 : i32
    %dma_wait3A = arith.constant 0 : i32
    %dma_wait3A_180 = tpu.memref_slice %arg12[%add3A_179, %dma_wait3A] : memref<10000x128xf32, #tpu.memory_space<vmem_shared>> -> memref<24x128xf32, #tpu.memory_space<vmem_shared>>
    %dma_wait3A_181 = arith.constant 0 : i32
    %dma_wait3A_182 = tpu.memref_slice %arg12[%add3A_179, %dma_wait3A_181] : memref<10000x128xf32, #tpu.memory_space<vmem_shared>> -> memref<24x128xf32, #tpu.memory_space<vmem_shared>>
    tpu.wait_dma2 semaphore(%arg13 : memref<!tpu.dma_semaphore, #tpu.memory_space<semaphore_mem>>) src(%arg11 : memref<24x128xf32, #tpu.memory_space<vmem>>) dst(%dma_wait3A_182 : memref<24x128xf32, #tpu.memory_space<vmem_shared>>)
    %add3A_183 = arith.constant 24 : i32
    %add3A_184 = arith.addi %mul3A_5, %add3A_183 : i32
    %dma_wait3A_185 = arith.constant 0 : i32
    %dma_wait3A_186 = tpu.memref_slice %arg12[%add3A_184, %dma_wait3A_185] : memref<10000x128xf32, #tpu.memory_space<vmem_shared>> -> memref<24x128xf32, #tpu.memory_space<vmem_shared>>
    %dma_wait3A_187 = arith.constant 0 : i32
    %dma_wait3A_188 = tpu.memref_slice %arg12[%add3A_184, %dma_wait3A_187] : memref<10000x128xf32, #tpu.memory_space<vmem_shared>> -> memref<24x128xf32, #tpu.memory_space<vmem_shared>>
    tpu.wait_dma2 semaphore(%arg13 : memref<!tpu.dma_semaphore, #tpu.memory_space<semaphore_mem>>) src(%arg11 : memref<24x128xf32, #tpu.memory_space<vmem>>) dst(%dma_wait3A_188 : memref<24x128xf32, #tpu.memory_space<vmem_shared>>)
    %add3A_189 = arith.constant 48 : i32
    %add3A_190 = arith.addi %mul3A_5, %add3A_189 : i32
    %dma_wait3A_191 = arith.constant 0 : i32
    %dma_wait3A_192 = tpu.memref_slice %arg12[%add3A_190, %dma_wait3A_191] : memref<10000x128xf32, #tpu.memory_space<vmem_shared>> -> memref<24x128xf32, #tpu.memory_space<vmem_shared>>
    %dma_wait3A_193 = arith.constant 0 : i32
    %dma_wait3A_194 = tpu.memref_slice %arg12[%add3A_190, %dma_wait3A_193] : memref<10000x128xf32, #tpu.memory_space<vmem_shared>> -> memref<24x128xf32, #tpu.memory_space<vmem_shared>>
    tpu.wait_dma2 semaphore(%arg13 : memref<!tpu.dma_semaphore, #tpu.memory_space<semaphore_mem>>) src(%arg11 : memref<24x128xf32, #tpu.memory_space<vmem>>) dst(%dma_wait3A_194 : memref<24x128xf32, #tpu.memory_space<vmem_shared>>)
    %add3A_195 = arith.constant 72 : i32
    %add3A_196 = arith.addi %mul3A_5, %add3A_195 : i32
    %dma_wait3A_197 = arith.constant 0 : i32
    %dma_wait3A_198 = tpu.memref_slice %arg12[%add3A_196, %dma_wait3A_197] : memref<10000x128xf32, #tpu.memory_space<vmem_shared>> -> memref<24x128xf32, #tpu.memory_space<vmem_shared>>
    %dma_wait3A_199 = arith.constant 0 : i32
    %dma_wait3A_200 = tpu.memref_slice %arg12[%add3A_196, %dma_wait3A_199] : memref<10000x128xf32, #tpu.memory_space<vmem_shared>> -> memref<24x128xf32, #tpu.memory_space<vmem_shared>>
    tpu.wait_dma2 semaphore(%arg13 : memref<!tpu.dma_semaphore, #tpu.memory_space<semaphore_mem>>) src(%arg11 : memref<24x128xf32, #tpu.memory_space<vmem>>) dst(%dma_wait3A_200 : memref<24x128xf32, #tpu.memory_space<vmem_shared>>)
    %add3A_201 = arith.constant 96 : i32
    %add3A_202 = arith.addi %mul3A_5, %add3A_201 : i32
    %dma_wait3A_203 = arith.constant 0 : i32
    %dma_wait3A_204 = tpu.memref_slice %arg12[%add3A_202, %dma_wait3A_203] : memref<10000x128xf32, #tpu.memory_space<vmem_shared>> -> memref<24x128xf32, #tpu.memory_space<vmem_shared>>
    %dma_wait3A_205 = arith.constant 0 : i32
    %dma_wait3A_206 = tpu.memref_slice %arg12[%add3A_202, %dma_wait3A_205] : memref<10000x128xf32, #tpu.memory_space<vmem_shared>> -> memref<24x128xf32, #tpu.memory_space<vmem_shared>>
    tpu.wait_dma2 semaphore(%arg13 : memref<!tpu.dma_semaphore, #tpu.memory_space<semaphore_mem>>) src(%arg11 : memref<24x128xf32, #tpu.memory_space<vmem>>) dst(%dma_wait3A_206 : memref<24x128xf32, #tpu.memory_space<vmem_shared>>)
    %add3A_207 = arith.constant 120 : i32
    %add3A_208 = arith.addi %mul3A_5, %add3A_207 : i32
    %dma_wait3A_209 = arith.constant 0 : i32
    %dma_wait3A_210 = tpu.memref_slice %arg12[%add3A_208, %dma_wait3A_209] : memref<10000x128xf32, #tpu.memory_space<vmem_shared>> -> memref<24x128xf32, #tpu.memory_space<vmem_shared>>
    %dma_wait3A_211 = arith.constant 0 : i32
    %dma_wait3A_212 = tpu.memref_slice %arg12[%add3A_208, %dma_wait3A_211] : memref<10000x128xf32, #tpu.memory_space<vmem_shared>> -> memref<24x128xf32, #tpu.memory_space<vmem_shared>>
    tpu.wait_dma2 semaphore(%arg13 : memref<!tpu.dma_semaphore, #tpu.memory_space<semaphore_mem>>) src(%arg11 : memref<24x128xf32, #tpu.memory_space<vmem>>) dst(%dma_wait3A_212 : memref<24x128xf32, #tpu.memory_space<vmem_shared>>)
    %add3A_213 = arith.constant 144 : i32
    %add3A_214 = arith.addi %mul3A_5, %add3A_213 : i32
    %dma_wait3A_215 = arith.constant 0 : i32
    %dma_wait3A_216 = tpu.memref_slice %arg12[%add3A_214, %dma_wait3A_215] : memref<10000x128xf32, #tpu.memory_space<vmem_shared>> -> memref<24x128xf32, #tpu.memory_space<vmem_shared>>
    %dma_wait3A_217 = arith.constant 0 : i32
    %dma_wait3A_218 = tpu.memref_slice %arg12[%add3A_214, %dma_wait3A_217] : memref<10000x128xf32, #tpu.memory_space<vmem_shared>> -> memref<24x128xf32, #tpu.memory_space<vmem_shared>>
    tpu.wait_dma2 semaphore(%arg13 : memref<!tpu.dma_semaphore, #tpu.memory_space<semaphore_mem>>) src(%arg11 : memref<24x128xf32, #tpu.memory_space<vmem>>) dst(%dma_wait3A_218 : memref<24x128xf32, #tpu.memory_space<vmem_shared>>)
    %add3A_219 = arith.constant 168 : i32
    %add3A_220 = arith.addi %mul3A_5, %add3A_219 : i32
    %dma_wait3A_221 = arith.constant 0 : i32
    %dma_wait3A_222 = tpu.memref_slice %arg12[%add3A_220, %dma_wait3A_221] : memref<10000x128xf32, #tpu.memory_space<vmem_shared>> -> memref<24x128xf32, #tpu.memory_space<vmem_shared>>
    %dma_wait3A_223 = arith.constant 0 : i32
    %dma_wait3A_224 = tpu.memref_slice %arg12[%add3A_220, %dma_wait3A_223] : memref<10000x128xf32, #tpu.memory_space<vmem_shared>> -> memref<24x128xf32, #tpu.memory_space<vmem_shared>>
    tpu.wait_dma2 semaphore(%arg13 : memref<!tpu.dma_semaphore, #tpu.memory_space<semaphore_mem>>) src(%arg11 : memref<24x128xf32, #tpu.memory_space<vmem>>) dst(%dma_wait3A_224 : memref<24x128xf32, #tpu.memory_space<vmem_shared>>)
    %add3A_225 = arith.constant 192 : i32
    %add3A_226 = arith.addi %mul3A_5, %add3A_225 : i32
    %dma_wait3A_227 = arith.constant 0 : i32
    %dma_wait3A_228 = tpu.memref_slice %arg12[%add3A_226, %dma_wait3A_227] : memref<10000x128xf32, #tpu.memory_space<vmem_shared>> -> memref<24x128xf32, #tpu.memory_space<vmem_shared>>
    %dma_wait3A_229 = arith.constant 0 : i32
    %dma_wait3A_230 = tpu.memref_slice %arg12[%add3A_226, %dma_wait3A_229] : memref<10000x128xf32, #tpu.memory_space<vmem_shared>> -> memref<24x128xf32, #tpu.memory_space<vmem_shared>>
    tpu.wait_dma2 semaphore(%arg13 : memref<!tpu.dma_semaphore, #tpu.memory_space<semaphore_mem>>) src(%arg11 : memref<24x128xf32, #tpu.memory_space<vmem>>) dst(%dma_wait3A_230 : memref<24x128xf32, #tpu.memory_space<vmem_shared>>)
    %add3A_231 = arith.constant 216 : i32
    %add3A_232 = arith.addi %mul3A_5, %add3A_231 : i32
    %dma_wait3A_233 = arith.constant 0 : i32
    %dma_wait3A_234 = tpu.memref_slice %arg12[%add3A_232, %dma_wait3A_233] : memref<10000x128xf32, #tpu.memory_space<vmem_shared>> -> memref<24x128xf32, #tpu.memory_space<vmem_shared>>
    %dma_wait3A_235 = arith.constant 0 : i32
    %dma_wait3A_236 = tpu.memref_slice %arg12[%add3A_232, %dma_wait3A_235] : memref<10000x128xf32, #tpu.memory_space<vmem_shared>> -> memref<24x128xf32, #tpu.memory_space<vmem_shared>>
    tpu.wait_dma2 semaphore(%arg13 : memref<!tpu.dma_semaphore, #tpu.memory_space<semaphore_mem>>) src(%arg11 : memref<24x128xf32, #tpu.memory_space<vmem>>) dst(%dma_wait3A_236 : memref<24x128xf32, #tpu.memory_space<vmem_shared>>)
    %add3A_237 = arith.constant 240 : i32
    %add3A_238 = arith.addi %mul3A_5, %add3A_237 : i32
    %dma_wait3A_239 = arith.constant 0 : i32
    %dma_wait3A_240 = tpu.memref_slice %arg12[%add3A_238, %dma_wait3A_239] : memref<10000x128xf32, #tpu.memory_space<vmem_shared>> -> memref<24x128xf32, #tpu.memory_space<vmem_shared>>
    %dma_wait3A_241 = arith.constant 0 : i32
    %dma_wait3A_242 = tpu.memref_slice %arg12[%add3A_238, %dma_wait3A_241] : memref<10000x128xf32, #tpu.memory_space<vmem_shared>> -> memref<24x128xf32, #tpu.memory_space<vmem_shared>>
    tpu.wait_dma2 semaphore(%arg13 : memref<!tpu.dma_semaphore, #tpu.memory_space<semaphore_mem>>) src(%arg11 : memref<24x128xf32, #tpu.memory_space<vmem>>) dst(%dma_wait3A_242 : memref<24x128xf32, #tpu.memory_space<vmem_shared>>)
    %add3A_243 = arith.constant 264 : i32
    %add3A_244 = arith.addi %mul3A_5, %add3A_243 : i32
    %dma_wait3A_245 = arith.constant 0 : i32
    %dma_wait3A_246 = tpu.memref_slice %arg12[%add3A_244, %dma_wait3A_245] : memref<10000x128xf32, #tpu.memory_space<vmem_shared>> -> memref<24x128xf32, #tpu.memory_space<vmem_shared>>
    %dma_wait3A_247 = arith.constant 0 : i32
    %dma_wait3A_248 = tpu.memref_slice %arg12[%add3A_244, %dma_wait3A_247] : memref<10000x128xf32, #tpu.memory_space<vmem_shared>> -> memref<24x128xf32, #tpu.memory_space<vmem_shared>>
    tpu.wait_dma2 semaphore(%arg13 : memref<!tpu.dma_semaphore, #tpu.memory_space<semaphore_mem>>) src(%arg11 : memref<24x128xf32, #tpu.memory_space<vmem>>) dst(%dma_wait3A_248 : memref<24x128xf32, #tpu.memory_space<vmem_shared>>)
    %add3A_249 = arith.constant 288 : i32
    %add3A_250 = arith.addi %mul3A_5, %add3A_249 : i32
    %dma_wait3A_251 = arith.constant 0 : i32
    %dma_wait3A_252 = tpu.memref_slice %arg12[%add3A_250, %dma_wait3A_251] : memref<10000x128xf32, #tpu.memory_space<vmem_shared>> -> memref<24x128xf32, #tpu.memory_space<vmem_shared>>
    %dma_wait3A_253 = arith.constant 0 : i32
    %dma_wait3A_254 = tpu.memref_slice %arg12[%add3A_250, %dma_wait3A_253] : memref<10000x128xf32, #tpu.memory_space<vmem_shared>> -> memref<24x128xf32, #tpu.memory_space<vmem_shared>>
    tpu.wait_dma2 semaphore(%arg13 : memref<!tpu.dma_semaphore, #tpu.memory_space<semaphore_mem>>) src(%arg11 : memref<24x128xf32, #tpu.memory_space<vmem>>) dst(%dma_wait3A_254 : memref<24x128xf32, #tpu.memory_space<vmem_shared>>)
    %add3A_255 = arith.constant 312 : i32
    %add3A_256 = arith.addi %mul3A_5, %add3A_255 : i32
    %dma_wait3A_257 = arith.constant 0 : i32
    %dma_wait3A_258 = tpu.memref_slice %arg12[%add3A_256, %dma_wait3A_257] : memref<10000x128xf32, #tpu.memory_space<vmem_shared>> -> memref<24x128xf32, #tpu.memory_space<vmem_shared>>
    %dma_wait3A_259 = arith.constant 0 : i32
    %dma_wait3A_260 = tpu.memref_slice %arg12[%add3A_256, %dma_wait3A_259] : memref<10000x128xf32, #tpu.memory_space<vmem_shared>> -> memref<24x128xf32, #tpu.memory_space<vmem_shared>>
    tpu.wait_dma2 semaphore(%arg13 : memref<!tpu.dma_semaphore, #tpu.memory_space<semaphore_mem>>) src(%arg11 : memref<24x128xf32, #tpu.memory_space<vmem>>) dst(%dma_wait3A_260 : memref<24x128xf32, #tpu.memory_space<vmem_shared>>)
    %add3A_261 = arith.constant 336 : i32
    %add3A_262 = arith.addi %mul3A_5, %add3A_261 : i32
    %dma_wait3A_263 = arith.constant 0 : i32
    %dma_wait3A_264 = tpu.memref_slice %arg12[%add3A_262, %dma_wait3A_263] : memref<10000x128xf32, #tpu.memory_space<vmem_shared>> -> memref<24x128xf32, #tpu.memory_space<vmem_shared>>
    %dma_wait3A_265 = arith.constant 0 : i32
    %dma_wait3A_266 = tpu.memref_slice %arg12[%add3A_262, %dma_wait3A_265] : memref<10000x128xf32, #tpu.memory_space<vmem_shared>> -> memref<24x128xf32, #tpu.memory_space<vmem_shared>>
    tpu.wait_dma2 semaphore(%arg13 : memref<!tpu.dma_semaphore, #tpu.memory_space<semaphore_mem>>) src(%arg11 : memref<24x128xf32, #tpu.memory_space<vmem>>) dst(%dma_wait3A_266 : memref<24x128xf32, #tpu.memory_space<vmem_shared>>)
    %add3A_267 = arith.constant 360 : i32
    %add3A_268 = arith.addi %mul3A_5, %add3A_267 : i32
    %dma_wait3A_269 = arith.constant 0 : i32
    %dma_wait3A_270 = tpu.memref_slice %arg12[%add3A_268, %dma_wait3A_269] : memref<10000x128xf32, #tpu.memory_space<vmem_shared>> -> memref<24x128xf32, #tpu.memory_space<vmem_shared>>
    %dma_wait3A_271 = arith.constant 0 : i32
    %dma_wait3A_272 = tpu.memref_slice %arg12[%add3A_268, %dma_wait3A_271] : memref<10000x128xf32, #tpu.memory_space<vmem_shared>> -> memref<24x128xf32, #tpu.memory_space<vmem_shared>>
    tpu.wait_dma2 semaphore(%arg13 : memref<!tpu.dma_semaphore, #tpu.memory_space<semaphore_mem>>) src(%arg11 : memref<24x128xf32, #tpu.memory_space<vmem>>) dst(%dma_wait3A_272 : memref<24x128xf32, #tpu.memory_space<vmem_shared>>)
    %add3A_273 = arith.constant 384 : i32
    %add3A_274 = arith.addi %mul3A_5, %add3A_273 : i32
    %dma_wait3A_275 = arith.constant 0 : i32
    %dma_wait3A_276 = tpu.memref_slice %arg12[%add3A_274, %dma_wait3A_275] : memref<10000x128xf32, #tpu.memory_space<vmem_shared>> -> memref<24x128xf32, #tpu.memory_space<vmem_shared>>
    %dma_wait3A_277 = arith.constant 0 : i32
    %dma_wait3A_278 = tpu.memref_slice %arg12[%add3A_274, %dma_wait3A_277] : memref<10000x128xf32, #tpu.memory_space<vmem_shared>> -> memref<24x128xf32, #tpu.memory_space<vmem_shared>>
    tpu.wait_dma2 semaphore(%arg13 : memref<!tpu.dma_semaphore, #tpu.memory_space<semaphore_mem>>) src(%arg11 : memref<24x128xf32, #tpu.memory_space<vmem>>) dst(%dma_wait3A_278 : memref<24x128xf32, #tpu.memory_space<vmem_shared>>)
    %add3A_279 = arith.constant 408 : i32
    %add3A_280 = arith.addi %mul3A_5, %add3A_279 : i32
    %dma_wait3A_281 = arith.constant 0 : i32
    %dma_wait3A_282 = tpu.memref_slice %arg12[%add3A_280, %dma_wait3A_281] : memref<10000x128xf32, #tpu.memory_space<vmem_shared>> -> memref<24x128xf32, #tpu.memory_space<vmem_shared>>
    %dma_wait3A_283 = arith.constant 0 : i32
    %dma_wait3A_284 = tpu.memref_slice %arg12[%add3A_280, %dma_wait3A_283] : memref<10000x128xf32, #tpu.memory_space<vmem_shared>> -> memref<24x128xf32, #tpu.memory_space<vmem_shared>>
    tpu.wait_dma2 semaphore(%arg13 : memref<!tpu.dma_semaphore, #tpu.memory_space<semaphore_mem>>) src(%arg11 : memref<24x128xf32, #tpu.memory_space<vmem>>) dst(%dma_wait3A_284 : memref<24x128xf32, #tpu.memory_space<vmem_shared>>)
    %add3A_285 = arith.constant 432 : i32
    %add3A_286 = arith.addi %mul3A_5, %add3A_285 : i32
    %dma_wait3A_287 = arith.constant 0 : i32
    %dma_wait3A_288 = tpu.memref_slice %arg12[%add3A_286, %dma_wait3A_287] : memref<10000x128xf32, #tpu.memory_space<vmem_shared>> -> memref<24x128xf32, #tpu.memory_space<vmem_shared>>
    %dma_wait3A_289 = arith.constant 0 : i32
    %dma_wait3A_290 = tpu.memref_slice %arg12[%add3A_286, %dma_wait3A_289] : memref<10000x128xf32, #tpu.memory_space<vmem_shared>> -> memref<24x128xf32, #tpu.memory_space<vmem_shared>>
    tpu.wait_dma2 semaphore(%arg13 : memref<!tpu.dma_semaphore, #tpu.memory_space<semaphore_mem>>) src(%arg11 : memref<24x128xf32, #tpu.memory_space<vmem>>) dst(%dma_wait3A_290 : memref<24x128xf32, #tpu.memory_space<vmem_shared>>)
    %add3A_291 = arith.constant 456 : i32
    %add3A_292 = arith.addi %mul3A_5, %add3A_291 : i32
    %dma_wait3A_293 = arith.constant 0 : i32
    %dma_wait3A_294 = tpu.memref_slice %arg12[%add3A_292, %dma_wait3A_293] : memref<10000x128xf32, #tpu.memory_space<vmem_shared>> -> memref<24x128xf32, #tpu.memory_space<vmem_shared>>
    %dma_wait3A_295 = arith.constant 0 : i32
    %dma_wait3A_296 = tpu.memref_slice %arg12[%add3A_292, %dma_wait3A_295] : memref<10000x128xf32, #tpu.memory_space<vmem_shared>> -> memref<24x128xf32, #tpu.memory_space<vmem_shared>>
    tpu.wait_dma2 semaphore(%arg13 : memref<!tpu.dma_semaphore, #tpu.memory_space<semaphore_mem>>) src(%arg11 : memref<24x128xf32, #tpu.memory_space<vmem>>) dst(%dma_wait3A_296 : memref<24x128xf32, #tpu.memory_space<vmem_shared>>)
    %add3A_297 = arith.constant 480 : i32
    %add3A_298 = arith.addi %mul3A_5, %add3A_297 : i32
    %dma_wait3A_299 = arith.constant 0 : i32
    %dma_wait3A_300 = tpu.memref_slice %arg12[%add3A_298, %dma_wait3A_299] : memref<10000x128xf32, #tpu.memory_space<vmem_shared>> -> memref<24x128xf32, #tpu.memory_space<vmem_shared>>
    %dma_wait3A_301 = arith.constant 0 : i32
    %dma_wait3A_302 = tpu.memref_slice %arg12[%add3A_298, %dma_wait3A_301] : memref<10000x128xf32, #tpu.memory_space<vmem_shared>> -> memref<24x128xf32, #tpu.memory_space<vmem_shared>>
    tpu.wait_dma2 semaphore(%arg13 : memref<!tpu.dma_semaphore, #tpu.memory_space<semaphore_mem>>) src(%arg11 : memref<24x128xf32, #tpu.memory_space<vmem>>) dst(%dma_wait3A_302 : memref<24x128xf32, #tpu.memory_space<vmem_shared>>)
    %add3A_303 = arith.constant 504 : i32
    %add3A_304 = arith.addi %mul3A_5, %add3A_303 : i32
    %dma_wait3A_305 = arith.constant 0 : i32
    %dma_wait3A_306 = tpu.memref_slice %arg12[%add3A_304, %dma_wait3A_305] : memref<10000x128xf32, #tpu.memory_space<vmem_shared>> -> memref<24x128xf32, #tpu.memory_space<vmem_shared>>
    %dma_wait3A_307 = arith.constant 0 : i32
    %dma_wait3A_308 = tpu.memref_slice %arg12[%add3A_304, %dma_wait3A_307] : memref<10000x128xf32, #tpu.memory_space<vmem_shared>> -> memref<24x128xf32, #tpu.memory_space<vmem_shared>>
    tpu.wait_dma2 semaphore(%arg13 : memref<!tpu.dma_semaphore, #tpu.memory_space<semaphore_mem>>) src(%arg11 : memref<24x128xf32, #tpu.memory_space<vmem>>) dst(%dma_wait3A_308 : memref<24x128xf32, #tpu.memory_space<vmem_shared>>)
    %add3A_309 = arith.constant 528 : i32
    %add3A_310 = arith.addi %mul3A_5, %add3A_309 : i32
    %dma_wait3A_311 = arith.constant 0 : i32
    %dma_wait3A_312 = tpu.memref_slice %arg12[%add3A_310, %dma_wait3A_311] : memref<10000x128xf32, #tpu.memory_space<vmem_shared>> -> memref<24x128xf32, #tpu.memory_space<vmem_shared>>
    %dma_wait3A_313 = arith.constant 0 : i32
    %dma_wait3A_314 = tpu.memref_slice %arg12[%add3A_310, %dma_wait3A_313] : memref<10000x128xf32, #tpu.memory_space<vmem_shared>> -> memref<24x128xf32, #tpu.memory_space<vmem_shared>>
    tpu.wait_dma2 semaphore(%arg13 : memref<!tpu.dma_semaphore, #tpu.memory_space<semaphore_mem>>) src(%arg11 : memref<24x128xf32, #tpu.memory_space<vmem>>) dst(%dma_wait3A_314 : memref<24x128xf32, #tpu.memory_space<vmem_shared>>)
    %add3A_315 = arith.constant 552 : i32
    %add3A_316 = arith.addi %mul3A_5, %add3A_315 : i32
    %dma_wait3A_317 = arith.constant 0 : i32
    %dma_wait3A_318 = tpu.memref_slice %arg12[%add3A_316, %dma_wait3A_317] : memref<10000x128xf32, #tpu.memory_space<vmem_shared>> -> memref<24x128xf32, #tpu.memory_space<vmem_shared>>
    %dma_wait3A_319 = arith.constant 0 : i32
    %dma_wait3A_320 = tpu.memref_slice %arg12[%add3A_316, %dma_wait3A_319] : memref<10000x128xf32, #tpu.memory_space<vmem_shared>> -> memref<24x128xf32, #tpu.memory_space<vmem_shared>>
    tpu.wait_dma2 semaphore(%arg13 : memref<!tpu.dma_semaphore, #tpu.memory_space<semaphore_mem>>) src(%arg11 : memref<24x128xf32, #tpu.memory_space<vmem>>) dst(%dma_wait3A_320 : memref<24x128xf32, #tpu.memory_space<vmem_shared>>)
    %add3A_321 = arith.constant 576 : i32
    %add3A_322 = arith.addi %mul3A_5, %add3A_321 : i32
    %dma_wait3A_323 = arith.constant 0 : i32
    %dma_wait3A_324 = tpu.memref_slice %arg12[%add3A_322, %dma_wait3A_323] : memref<10000x128xf32, #tpu.memory_space<vmem_shared>> -> memref<24x128xf32, #tpu.memory_space<vmem_shared>>
    %dma_wait3A_325 = arith.constant 0 : i32
    %dma_wait3A_326 = tpu.memref_slice %arg12[%add3A_322, %dma_wait3A_325] : memref<10000x128xf32, #tpu.memory_space<vmem_shared>> -> memref<24x128xf32, #tpu.memory_space<vmem_shared>>
    tpu.wait_dma2 semaphore(%arg13 : memref<!tpu.dma_semaphore, #tpu.memory_space<semaphore_mem>>) src(%arg11 : memref<24x128xf32, #tpu.memory_space<vmem>>) dst(%dma_wait3A_326 : memref<24x128xf32, #tpu.memory_space<vmem_shared>>)
    %add3A_327 = arith.constant 600 : i32
    %add3A_328 = arith.addi %mul3A_5, %add3A_327 : i32
    %dma_wait3A_329 = arith.constant 0 : i32
    %dma_wait3A_330 = tpu.memref_slice %arg12[%add3A_328, %dma_wait3A_329] : memref<10000x128xf32, #tpu.memory_space<vmem_shared>> -> memref<24x128xf32, #tpu.memory_space<vmem_shared>>
    %dma_wait3A_331 = arith.constant 0 : i32
    %dma_wait3A_332 = tpu.memref_slice %arg12[%add3A_328, %dma_wait3A_331] : memref<10000x128xf32, #tpu.memory_space<vmem_shared>> -> memref<24x128xf32, #tpu.memory_space<vmem_shared>>
    tpu.wait_dma2 semaphore(%arg13 : memref<!tpu.dma_semaphore, #tpu.memory_space<semaphore_mem>>) src(%arg11 : memref<24x128xf32, #tpu.memory_space<vmem>>) dst(%dma_wait3A_332 : memref<24x128xf32, #tpu.memory_space<vmem_shared>>)
    %eq3A_333 = arith.constant 15 : i32
    %eq3A_334 = arith.cmpi eq, %arg1, %eq3A_333 : i32
    %convert_element_type3A_335 = arith.extui %eq3A_334 : i1 to i32
    %cond3A_336 = arith.constant 0 : i32
    %cond3A_337 = arith.cmpi ne, %convert_element_type3A_335, %cond3A_336 : i32
    scf.if %cond3A_337 {
      %dma_wait3A_650 = arith.constant 0 : i32
      %dma_wait3A_651 = arith.constant 0 : i32
      %dma_wait3A_652 = tpu.memref_slice %arg11[%dma_wait3A_650, %dma_wait3A_651] : memref<24x128xf32, #tpu.memory_space<vmem>> -> memref<16x128xf32, #tpu.memory_space<vmem>>
      %dma_wait3A_653 = arith.constant 9984 : i32
      %dma_wait3A_654 = arith.constant 0 : i32
      %dma_wait3A_655 = tpu.memref_slice %arg12[%dma_wait3A_653, %dma_wait3A_654] : memref<10000x128xf32, #tpu.memory_space<vmem_shared>> -> memref<16x128xf32, #tpu.memory_space<vmem_shared>>
      %dma_wait3A_656 = arith.constant 9984 : i32
      %dma_wait3A_657 = arith.constant 0 : i32
      %dma_wait3A_658 = tpu.memref_slice %arg12[%dma_wait3A_656, %dma_wait3A_657] : memref<10000x128xf32, #tpu.memory_space<vmem_shared>> -> memref<16x128xf32, #tpu.memory_space<vmem_shared>>
      %dma_wait3A_659 = arith.constant 0 : i32
      %dma_wait3A_660 = arith.constant 0 : i32
      %dma_wait3A_661 = tpu.memref_slice %arg11[%dma_wait3A_659, %dma_wait3A_660] : memref<24x128xf32, #tpu.memory_space<vmem>> -> memref<16x128xf32, #tpu.memory_space<vmem>>
      tpu.wait_dma2 semaphore(%arg13 : memref<!tpu.dma_semaphore, #tpu.memory_space<semaphore_mem>>) src(%dma_wait3A_661 : memref<16x128xf32, #tpu.memory_space<vmem>>) dst(%dma_wait3A_658 : memref<16x128xf32, #tpu.memory_space<vmem_shared>>)
    } else {
    }
    %dma_wait3A_338 = arith.constant 0 : i32
    %dma_wait3A_339 = arith.constant 0 : i32
    %dma_wait3A_340 = tpu.memref_slice %arg2[%arg0, %arg1, %dma_wait3A_338, %dma_wait3A_339] : memref<2x16x125x80xi32, #tpu.memory_space<hbm>> -> memref<1x1x64x80xi32, #tpu.memory_space<hbm>>
    %dma_wait3A_341 = tpu.memref_squeeze %dma_wait3A_340 : memref<1x1x64x80xi32, #tpu.memory_space<hbm>> -> memref<64x80xi32, #tpu.memory_space<hbm>>
    %dma_wait3A_342 = arith.constant 0 : i32
    %dma_wait3A_343 = arith.constant 0 : i32
    %dma_wait3A_344 = tpu.memref_slice %arg2[%arg0, %arg1, %dma_wait3A_342, %dma_wait3A_343] : memref<2x16x125x80xi32, #tpu.memory_space<hbm>> -> memref<1x1x64x80xi32, #tpu.memory_space<hbm>>
    %dma_wait3A_345 = tpu.memref_squeeze %dma_wait3A_344 : memref<1x1x64x80xi32, #tpu.memory_space<hbm>> -> memref<64x80xi32, #tpu.memory_space<hbm>>
    tpu.wait_dma2 semaphore(%arg14 : memref<!tpu.dma_semaphore, #tpu.memory_space<semaphore_mem>>) src(%dma_wait3A_345 : memref<64x80xi32, #tpu.memory_space<hbm>>) dst(%arg6 : memref<64x80xi32, #tpu.memory_space<vmem>>)
    %dma_wait3A_346 = arith.constant 0 : i32
    %dma_wait3A_347 = arith.constant 0 : i32
    %dma_wait3A_348 = tpu.memref_slice %arg3[%arg0, %arg1, %dma_wait3A_346, %dma_wait3A_347] : memref<2x16x125x80xi32, #tpu.memory_space<hbm>> -> memref<1x1x64x80xi32, #tpu.memory_space<hbm>>
    %dma_wait3A_349 = tpu.memref_squeeze %dma_wait3A_348 : memref<1x1x64x80xi32, #tpu.memory_space<hbm>> -> memref<64x80xi32, #tpu.memory_space<hbm>>
    %dma_wait3A_350 = arith.constant 0 : i32
    %dma_wait3A_351 = arith.constant 0 : i32
    %dma_wait3A_352 = tpu.memref_slice %arg3[%arg0, %arg1, %dma_wait3A_350, %dma_wait3A_351] : memref<2x16x125x80xi32, #tpu.memory_space<hbm>> -> memref<1x1x64x80xi32, #tpu.memory_space<hbm>>
    %dma_wait3A_353 = tpu.memref_squeeze %dma_wait3A_352 : memref<1x1x64x80xi32, #tpu.memory_space<hbm>> -> memref<64x80xi32, #tpu.memory_space<hbm>>
    tpu.wait_dma2 semaphore(%arg15 : memref<!tpu.dma_semaphore, #tpu.memory_space<semaphore_mem>>) src(%dma_wait3A_353 : memref<64x80xi32, #tpu.memory_space<hbm>>) dst(%arg7 : memref<64x80xi32, #tpu.memory_space<vmem>>)
    %barrier3A = arith.constant 0 : index
    tpu.barrier barrier_id(%barrier3A)
    %dma_start3A_354 = arith.constant 0 : i32
    %dma_start3A_355 = arith.constant 0 : i32
    %dma_start3A_356 = tpu.memref_slice %arg6[%dma_start3A_354, %dma_start3A_355] : memref<64x80xi32, #tpu.memory_space<vmem>> -> memref<1x80xi32, #tpu.memory_space<vmem>>
    %dma_start3A_357 = tpu.memref_squeeze %dma_start3A_356 : memref<1x80xi32, #tpu.memory_space<vmem>> -> memref<80xi32, #tpu.memory_space<vmem>>
    %dma_start3A_358 = arith.constant 0 : i32
    %dma_start3A_359 = arith.constant 0 : i32
    %dma_start3A_360 = tpu.memref_slice %arg4[%dma_start3A_358, %dma_start3A_359] : memref<10000x128xf32, #tpu.memory_space<hbm>> -> memref<10000x128xf32, #tpu.memory_space<hbm>>
    tpu.enqueue_indirect_dma source(%dma_start3A_360 : memref<10000x128xf32, #tpu.memory_space<hbm>>) target(%arg8 : memref<80x128xf32, #tpu.memory_space<vmem>>) offsets(%dma_start3A_357 : memref<80xi32, #tpu.memory_space<vmem>>) semaphore(%arg13 : memref<!tpu.dma_semaphore, #tpu.memory_space<semaphore_mem>>)
    %dma_start3A_361 = arith.constant 1 : i32
    %dma_start3A_362 = arith.constant 0 : i32
    %dma_start3A_363 = tpu.memref_slice %arg6[%dma_start3A_361, %dma_start3A_362] : memref<64x80xi32, #tpu.memory_space<vmem>> -> memref<1x80xi32, #tpu.memory_space<vmem>>
    %dma_start3A_364 = tpu.memref_squeeze %dma_start3A_363 : memref<1x80xi32, #tpu.memory_space<vmem>> -> memref<80xi32, #tpu.memory_space<vmem>>
    %dma_start3A_365 = arith.constant 0 : i32
    %dma_start3A_366 = arith.constant 0 : i32
    %dma_start3A_367 = tpu.memref_slice %arg4[%dma_start3A_365, %dma_start3A_366] : memref<10000x128xf32, #tpu.memory_space<hbm>> -> memref<10000x128xf32, #tpu.memory_space<hbm>>
    tpu.enqueue_indirect_dma source(%dma_start3A_367 : memref<10000x128xf32, #tpu.memory_space<hbm>>) target(%arg9 : memref<80x128xf32, #tpu.memory_space<vmem>>) offsets(%dma_start3A_364 : memref<80xi32, #tpu.memory_space<vmem>>) semaphore(%arg14 : memref<!tpu.dma_semaphore, #tpu.memory_space<semaphore_mem>>)
    %dma_wait3A_368 = arith.constant 0 : i32
    %dma_wait3A_369 = arith.constant 0 : i32
    %dma_wait3A_370 = tpu.memref_slice %arg6[%dma_wait3A_368, %dma_wait3A_369] : memref<64x80xi32, #tpu.memory_space<vmem>> -> memref<1x80xi32, #tpu.memory_space<vmem>>
    %dma_wait3A_371 = tpu.memref_squeeze %dma_wait3A_370 : memref<1x80xi32, #tpu.memory_space<vmem>> -> memref<80xi32, #tpu.memory_space<vmem>>
    %dma_wait3A_372 = arith.constant 0 : i32
    %dma_wait3A_373 = arith.constant 0 : i32
    %dma_wait3A_374 = tpu.memref_slice %arg4[%dma_wait3A_372, %dma_wait3A_373] : memref<10000x128xf32, #tpu.memory_space<hbm>> -> memref<10000x128xf32, #tpu.memory_space<hbm>>
    tpu.wait_indirect_dma semaphore(%arg13 : memref<!tpu.dma_semaphore, #tpu.memory_space<semaphore_mem>>) src(%dma_wait3A_374 : memref<10000x128xf32, #tpu.memory_space<hbm>>) dst(%arg8 : memref<80x128xf32, #tpu.memory_space<vmem>>)
    %dma_start3A_375 = arith.constant 0 : i32
    %dma_start3A_376 = arith.constant 0 : i32
    %dma_start3A_377 = tpu.memref_slice %arg7[%dma_start3A_375, %dma_start3A_376] : memref<64x80xi32, #tpu.memory_space<vmem>> -> memref<1x80xi32, #tpu.memory_space<vmem>>
    %dma_start3A_378 = tpu.memref_squeeze %dma_start3A_377 : memref<1x80xi32, #tpu.memory_space<vmem>> -> memref<80xi32, #tpu.memory_space<vmem>>
    %dma_start3A_379 = arith.constant 0 : i32
    %dma_start3A_380 = arith.constant 0 : i32
    %dma_start3A_381 = tpu.memref_slice %arg12[%dma_start3A_379, %dma_start3A_380] : memref<10000x128xf32, #tpu.memory_space<vmem_shared>> -> memref<10000x128xf32, #tpu.memory_space<vmem_shared>>
    tpu.enqueue_indirect_dma source(%arg8 : memref<80x128xf32, #tpu.memory_space<vmem>>) target(%dma_start3A_381 : memref<10000x128xf32, #tpu.memory_space<vmem_shared>>) offsets(%dma_start3A_378 : memref<80xi32, #tpu.memory_space<vmem>>) semaphore(%arg16 : memref<!tpu.dma_semaphore, #tpu.memory_space<semaphore_mem>>) {add = true}
    %dma_start3A_382 = arith.constant 2 : i32
    %dma_start3A_383 = arith.constant 0 : i32
    %dma_start3A_384 = tpu.memref_slice %arg6[%dma_start3A_382, %dma_start3A_383] : memref<64x80xi32, #tpu.memory_space<vmem>> -> memref<1x80xi32, #tpu.memory_space<vmem>>
    %dma_start3A_385 = tpu.memref_squeeze %dma_start3A_384 : memref<1x80xi32, #tpu.memory_space<vmem>> -> memref<80xi32, #tpu.memory_space<vmem>>
    %dma_start3A_386 = arith.constant 0 : i32
    %dma_start3A_387 = arith.constant 0 : i32
    %dma_start3A_388 = tpu.memref_slice %arg4[%dma_start3A_386, %dma_start3A_387] : memref<10000x128xf32, #tpu.memory_space<hbm>> -> memref<10000x128xf32, #tpu.memory_space<hbm>>
    tpu.enqueue_indirect_dma source(%dma_start3A_388 : memref<10000x128xf32, #tpu.memory_space<hbm>>) target(%arg10 : memref<80x128xf32, #tpu.memory_space<vmem>>) offsets(%dma_start3A_385 : memref<80xi32, #tpu.memory_space<vmem>>) semaphore(%arg15 : memref<!tpu.dma_semaphore, #tpu.memory_space<semaphore_mem>>)
    %scan3A_389 = arith.constant 0 : i32
    %scan3A_390 = arith.constant 20 : i32
    %scan3A_391 = arith.addi %scan3A_389, %scan3A_390 : i32
    %scan3A_392 = arith.constant 1 : i32
    scf.for %scan3A_650 = %scan3A_389 to %scan3A_391 step %scan3A_392  : i32 {
      %mul3A_651 = arith.constant 3 : i32
      %mul3A_652 = arith.muli %scan3A_650, %mul3A_651 : i32
      %add3A_653 = arith.constant 1 : i32
      %add3A_654 = arith.addi %add3A_653, %mul3A_652 : i32
      %dma_wait3A_655 = arith.constant 0 : i32
      %dma_wait3A_656 = tpu.memref_slice %arg6[%add3A_654, %dma_wait3A_655] : memref<64x80xi32, #tpu.memory_space<vmem>> -> memref<1x80xi32, #tpu.memory_space<vmem>>
      %dma_wait3A_657 = tpu.memref_squeeze %dma_wait3A_656 : memref<1x80xi32, #tpu.memory_space<vmem>> -> memref<80xi32, #tpu.memory_space<vmem>>
      %dma_wait3A_658 = arith.constant 0 : i32
      %dma_wait3A_659 = arith.constant 0 : i32
      %dma_wait3A_660 = tpu.memref_slice %arg4[%dma_wait3A_658, %dma_wait3A_659] : memref<10000x128xf32, #tpu.memory_space<hbm>> -> memref<10000x128xf32, #tpu.memory_space<hbm>>
      tpu.wait_indirect_dma semaphore(%arg14 : memref<!tpu.dma_semaphore, #tpu.memory_space<semaphore_mem>>) src(%dma_wait3A_660 : memref<10000x128xf32, #tpu.memory_space<hbm>>) dst(%arg9 : memref<80x128xf32, #tpu.memory_space<vmem>>)
      %dma_start3A_661 = arith.constant 0 : i32
      %dma_start3A_662 = tpu.memref_slice %arg7[%add3A_654, %dma_start3A_661] : memref<64x80xi32, #tpu.memory_space<vmem>> -> memref<1x80xi32, #tpu.memory_space<vmem>>
      %dma_start3A_663 = tpu.memref_squeeze %dma_start3A_662 : memref<1x80xi32, #tpu.memory_space<vmem>> -> memref<80xi32, #tpu.memory_space<vmem>>
      %dma_start3A_664 = arith.constant 0 : i32
      %dma_start3A_665 = arith.constant 0 : i32
      %dma_start3A_666 = tpu.memref_slice %arg12[%dma_start3A_664, %dma_start3A_665] : memref<10000x128xf32, #tpu.memory_space<vmem_shared>> -> memref<10000x128xf32, #tpu.memory_space<vmem_shared>>
      tpu.enqueue_indirect_dma source(%arg9 : memref<80x128xf32, #tpu.memory_space<vmem>>) target(%dma_start3A_666 : memref<10000x128xf32, #tpu.memory_space<vmem_shared>>) offsets(%dma_start3A_663 : memref<80xi32, #tpu.memory_space<vmem>>) semaphore(%arg17 : memref<!tpu.dma_semaphore, #tpu.memory_space<semaphore_mem>>) {add = true}
      %sub3A = arith.constant 1 : i32
      %sub3A_667 = arith.subi %add3A_654, %sub3A : i32
      %dma_wait3A_668 = arith.constant 0 : i32
      %dma_wait3A_669 = tpu.memref_slice %arg7[%sub3A_667, %dma_wait3A_668] : memref<64x80xi32, #tpu.memory_space<vmem>> -> memref<1x80xi32, #tpu.memory_space<vmem>>
      %dma_wait3A_670 = tpu.memref_squeeze %dma_wait3A_669 : memref<1x80xi32, #tpu.memory_space<vmem>> -> memref<80xi32, #tpu.memory_space<vmem>>
      %dma_wait3A_671 = arith.constant 0 : i32
      %dma_wait3A_672 = arith.constant 0 : i32
      %dma_wait3A_673 = tpu.memref_slice %arg12[%dma_wait3A_671, %dma_wait3A_672] : memref<10000x128xf32, #tpu.memory_space<vmem_shared>> -> memref<10000x128xf32, #tpu.memory_space<vmem_shared>>
      tpu.wait_indirect_dma semaphore(%arg16 : memref<!tpu.dma_semaphore, #tpu.memory_space<semaphore_mem>>) src(%arg8 : memref<80x128xf32, #tpu.memory_space<vmem>>) dst(%dma_wait3A_673 : memref<10000x128xf32, #tpu.memory_space<vmem_shared>>)
      %add3A_674 = arith.constant 2 : i32
      %add3A_675 = arith.addi %add3A_654, %add3A_674 : i32
      %dma_start3A_676 = arith.constant 0 : i32
      %dma_start3A_677 = tpu.memref_slice %arg6[%add3A_675, %dma_start3A_676] : memref<64x80xi32, #tpu.memory_space<vmem>> -> memref<1x80xi32, #tpu.memory_space<vmem>>
      %dma_start3A_678 = tpu.memref_squeeze %dma_start3A_677 : memref<1x80xi32, #tpu.memory_space<vmem>> -> memref<80xi32, #tpu.memory_space<vmem>>
      %dma_start3A_679 = arith.constant 0 : i32
      %dma_start3A_680 = arith.constant 0 : i32
      %dma_start3A_681 = tpu.memref_slice %arg4[%dma_start3A_679, %dma_start3A_680] : memref<10000x128xf32, #tpu.memory_space<hbm>> -> memref<10000x128xf32, #tpu.memory_space<hbm>>
      tpu.enqueue_indirect_dma source(%dma_start3A_681 : memref<10000x128xf32, #tpu.memory_space<hbm>>) target(%arg8 : memref<80x128xf32, #tpu.memory_space<vmem>>) offsets(%dma_start3A_678 : memref<80xi32, #tpu.memory_space<vmem>>) semaphore(%arg13 : memref<!tpu.dma_semaphore, #tpu.memory_space<semaphore_mem>>)
      %add3A_682 = arith.constant 1 : i32
      %add3A_683 = arith.addi %add3A_654, %add3A_682 : i32
      %dma_wait3A_684 = arith.constant 0 : i32
      %dma_wait3A_685 = tpu.memref_slice %arg6[%add3A_683, %dma_wait3A_684] : memref<64x80xi32, #tpu.memory_space<vmem>> -> memref<1x80xi32, #tpu.memory_space<vmem>>
      %dma_wait3A_686 = tpu.memref_squeeze %dma_wait3A_685 : memref<1x80xi32, #tpu.memory_space<vmem>> -> memref<80xi32, #tpu.memory_space<vmem>>
      %dma_wait3A_687 = arith.constant 0 : i32
      %dma_wait3A_688 = arith.constant 0 : i32
      %dma_wait3A_689 = tpu.memref_slice %arg4[%dma_wait3A_687, %dma_wait3A_688] : memref<10000x128xf32, #tpu.memory_space<hbm>> -> memref<10000x128xf32, #tpu.memory_space<hbm>>
      tpu.wait_indirect_dma semaphore(%arg15 : memref<!tpu.dma_semaphore, #tpu.memory_space<semaphore_mem>>) src(%dma_wait3A_689 : memref<10000x128xf32, #tpu.memory_space<hbm>>) dst(%arg10 : memref<80x128xf32, #tpu.memory_space<vmem>>)
      %dma_start3A_690 = arith.constant 0 : i32
      %dma_start3A_691 = tpu.memref_slice %arg7[%add3A_683, %dma_start3A_690] : memref<64x80xi32, #tpu.memory_space<vmem>> -> memref<1x80xi32, #tpu.memory_space<vmem>>
      %dma_start3A_692 = tpu.memref_squeeze %dma_start3A_691 : memref<1x80xi32, #tpu.memory_space<vmem>> -> memref<80xi32, #tpu.memory_space<vmem>>
      %dma_start3A_693 = arith.constant 0 : i32
      %dma_start3A_694 = arith.constant 0 : i32
      %dma_start3A_695 = tpu.memref_slice %arg12[%dma_start3A_693, %dma_start3A_694] : memref<10000x128xf32, #tpu.memory_space<vmem_shared>> -> memref<10000x128xf32, #tpu.memory_space<vmem_shared>>
      tpu.enqueue_indirect_dma source(%arg10 : memref<80x128xf32, #tpu.memory_space<vmem>>) target(%dma_start3A_695 : memref<10000x128xf32, #tpu.memory_space<vmem_shared>>) offsets(%dma_start3A_692 : memref<80xi32, #tpu.memory_space<vmem>>) semaphore(%arg18 : memref<!tpu.dma_semaphore, #tpu.memory_space<semaphore_mem>>) {add = true}
      %sub3A_696 = arith.constant 1 : i32
      %sub3A_697 = arith.subi %add3A_683, %sub3A_696 : i32
      %dma_wait3A_698 = arith.constant 0 : i32
      %dma_wait3A_699 = tpu.memref_slice %arg7[%sub3A_697, %dma_wait3A_698] : memref<64x80xi32, #tpu.memory_space<vmem>> -> memref<1x80xi32, #tpu.memory_space<vmem>>
      %dma_wait3A_700 = tpu.memref_squeeze %dma_wait3A_699 : memref<1x80xi32, #tpu.memory_space<vmem>> -> memref<80xi32, #tpu.memory_space<vmem>>
      %dma_wait3A_701 = arith.constant 0 : i32
      %dma_wait3A_702 = arith.constant 0 : i32
      %dma_wait3A_703 = tpu.memref_slice %arg12[%dma_wait3A_701, %dma_wait3A_702] : memref<10000x128xf32, #tpu.memory_space<vmem_shared>> -> memref<10000x128xf32, #tpu.memory_space<vmem_shared>>
      tpu.wait_indirect_dma semaphore(%arg17 : memref<!tpu.dma_semaphore, #tpu.memory_space<semaphore_mem>>) src(%arg9 : memref<80x128xf32, #tpu.memory_space<vmem>>) dst(%dma_wait3A_703 : memref<10000x128xf32, #tpu.memory_space<vmem_shared>>)
      %add3A_704 = arith.constant 2 : i32
      %add3A_705 = arith.addi %add3A_683, %add3A_704 : i32
      %dma_start3A_706 = arith.constant 0 : i32
      %dma_start3A_707 = tpu.memref_slice %arg6[%add3A_705, %dma_start3A_706] : memref<64x80xi32, #tpu.memory_space<vmem>> -> memref<1x80xi32, #tpu.memory_space<vmem>>
      %dma_start3A_708 = tpu.memref_squeeze %dma_start3A_707 : memref<1x80xi32, #tpu.memory_space<vmem>> -> memref<80xi32, #tpu.memory_space<vmem>>
      %dma_start3A_709 = arith.constant 0 : i32
      %dma_start3A_710 = arith.constant 0 : i32
      %dma_start3A_711 = tpu.memref_slice %arg4[%dma_start3A_709, %dma_start3A_710] : memref<10000x128xf32, #tpu.memory_space<hbm>> -> memref<10000x128xf32, #tpu.memory_space<hbm>>
      tpu.enqueue_indirect_dma source(%dma_start3A_711 : memref<10000x128xf32, #tpu.memory_space<hbm>>) target(%arg9 : memref<80x128xf32, #tpu.memory_space<vmem>>) offsets(%dma_start3A_708 : memref<80xi32, #tpu.memory_space<vmem>>) semaphore(%arg14 : memref<!tpu.dma_semaphore, #tpu.memory_space<semaphore_mem>>)
      %add3A_712 = arith.constant 2 : i32
      %add3A_713 = arith.addi %add3A_654, %add3A_712 : i32
      %dma_wait3A_714 = arith.constant 0 : i32
      %dma_wait3A_715 = tpu.memref_slice %arg6[%add3A_713, %dma_wait3A_714] : memref<64x80xi32, #tpu.memory_space<vmem>> -> memref<1x80xi32, #tpu.memory_space<vmem>>
      %dma_wait3A_716 = tpu.memref_squeeze %dma_wait3A_715 : memref<1x80xi32, #tpu.memory_space<vmem>> -> memref<80xi32, #tpu.memory_space<vmem>>
      %dma_wait3A_717 = arith.constant 0 : i32
      %dma_wait3A_718 = arith.constant 0 : i32
      %dma_wait3A_719 = tpu.memref_slice %arg4[%dma_wait3A_717, %dma_wait3A_718] : memref<10000x128xf32, #tpu.memory_space<hbm>> -> memref<10000x128xf32, #tpu.memory_space<hbm>>
      tpu.wait_indirect_dma semaphore(%arg13 : memref<!tpu.dma_semaphore, #tpu.memory_space<semaphore_mem>>) src(%dma_wait3A_719 : memref<10000x128xf32, #tpu.memory_space<hbm>>) dst(%arg8 : memref<80x128xf32, #tpu.memory_space<vmem>>)
      %dma_start3A_720 = arith.constant 0 : i32
      %dma_start3A_721 = tpu.memref_slice %arg7[%add3A_713, %dma_start3A_720] : memref<64x80xi32, #tpu.memory_space<vmem>> -> memref<1x80xi32, #tpu.memory_space<vmem>>
      %dma_start3A_722 = tpu.memref_squeeze %dma_start3A_721 : memref<1x80xi32, #tpu.memory_space<vmem>> -> memref<80xi32, #tpu.memory_space<vmem>>
      %dma_start3A_723 = arith.constant 0 : i32
      %dma_start3A_724 = arith.constant 0 : i32
      %dma_start3A_725 = tpu.memref_slice %arg12[%dma_start3A_723, %dma_start3A_724] : memref<10000x128xf32, #tpu.memory_space<vmem_shared>> -> memref<10000x128xf32, #tpu.memory_space<vmem_shared>>
      tpu.enqueue_indirect_dma source(%arg8 : memref<80x128xf32, #tpu.memory_space<vmem>>) target(%dma_start3A_725 : memref<10000x128xf32, #tpu.memory_space<vmem_shared>>) offsets(%dma_start3A_722 : memref<80xi32, #tpu.memory_space<vmem>>) semaphore(%arg16 : memref<!tpu.dma_semaphore, #tpu.memory_space<semaphore_mem>>) {add = true}
      %sub3A_726 = arith.constant 1 : i32
      %sub3A_727 = arith.subi %add3A_713, %sub3A_726 : i32
      %dma_wait3A_728 = arith.constant 0 : i32
      %dma_wait3A_729 = tpu.memref_slice %arg7[%sub3A_727, %dma_wait3A_728] : memref<64x80xi32, #tpu.memory_space<vmem>> -> memref<1x80xi32, #tpu.memory_space<vmem>>
      %dma_wait3A_730 = tpu.memref_squeeze %dma_wait3A_729 : memref<1x80xi32, #tpu.memory_space<vmem>> -> memref<80xi32, #tpu.memory_space<vmem>>
      %dma_wait3A_731 = arith.constant 0 : i32
      %dma_wait3A_732 = arith.constant 0 : i32
      %dma_wait3A_733 = tpu.memref_slice %arg12[%dma_wait3A_731, %dma_wait3A_732] : memref<10000x128xf32, #tpu.memory_space<vmem_shared>> -> memref<10000x128xf32, #tpu.memory_space<vmem_shared>>
      tpu.wait_indirect_dma semaphore(%arg18 : memref<!tpu.dma_semaphore, #tpu.memory_space<semaphore_mem>>) src(%arg10 : memref<80x128xf32, #tpu.memory_space<vmem>>) dst(%dma_wait3A_733 : memref<10000x128xf32, #tpu.memory_space<vmem_shared>>)
      %add3A_734 = arith.constant 2 : i32
      %add3A_735 = arith.addi %add3A_713, %add3A_734 : i32
      %dma_start3A_736 = arith.constant 0 : i32
      %dma_start3A_737 = tpu.memref_slice %arg6[%add3A_735, %dma_start3A_736] : memref<64x80xi32, #tpu.memory_space<vmem>> -> memref<1x80xi32, #tpu.memory_space<vmem>>
      %dma_start3A_738 = tpu.memref_squeeze %dma_start3A_737 : memref<1x80xi32, #tpu.memory_space<vmem>> -> memref<80xi32, #tpu.memory_space<vmem>>
      %dma_start3A_739 = arith.constant 0 : i32
      %dma_start3A_740 = arith.constant 0 : i32
      %dma_start3A_741 = tpu.memref_slice %arg4[%dma_start3A_739, %dma_start3A_740] : memref<10000x128xf32, #tpu.memory_space<hbm>> -> memref<10000x128xf32, #tpu.memory_space<hbm>>
      tpu.enqueue_indirect_dma source(%dma_start3A_741 : memref<10000x128xf32, #tpu.memory_space<hbm>>) target(%arg10 : memref<80x128xf32, #tpu.memory_space<vmem>>) offsets(%dma_start3A_738 : memref<80xi32, #tpu.memory_space<vmem>>) semaphore(%arg15 : memref<!tpu.dma_semaphore, #tpu.memory_space<semaphore_mem>>)
    }
    %scan3A_393 = arith.constant 20 : i32
    %dma_wait3A_394 = arith.constant 61 : i32
    %dma_wait3A_395 = arith.constant 0 : i32
    %dma_wait3A_396 = tpu.memref_slice %arg6[%dma_wait3A_394, %dma_wait3A_395] : memref<64x80xi32, #tpu.memory_space<vmem>> -> memref<1x80xi32, #tpu.memory_space<vmem>>
    %dma_wait3A_397 = tpu.memref_squeeze %dma_wait3A_396 : memref<1x80xi32, #tpu.memory_space<vmem>> -> memref<80xi32, #tpu.memory_space<vmem>>
    %dma_wait3A_398 = arith.constant 0 : i32
    %dma_wait3A_399 = arith.constant 0 : i32
    %dma_wait3A_400 = tpu.memref_slice %arg4[%dma_wait3A_398, %dma_wait3A_399] : memref<10000x128xf32, #tpu.memory_space<hbm>> -> memref<10000x128xf32, #tpu.memory_space<hbm>>
    tpu.wait_indirect_dma semaphore(%arg14 : memref<!tpu.dma_semaphore, #tpu.memory_space<semaphore_mem>>) src(%dma_wait3A_400 : memref<10000x128xf32, #tpu.memory_space<hbm>>) dst(%arg9 : memref<80x128xf32, #tpu.memory_space<vmem>>)
    %dma_start3A_401 = arith.constant 61 : i32
    %dma_start3A_402 = arith.constant 0 : i32
    %dma_start3A_403 = tpu.memref_slice %arg7[%dma_start3A_401, %dma_start3A_402] : memref<64x80xi32, #tpu.memory_space<vmem>> -> memref<1x80xi32, #tpu.memory_space<vmem>>
    %dma_start3A_404 = tpu.memref_squeeze %dma_start3A_403 : memref<1x80xi32, #tpu.memory_space<vmem>> -> memref<80xi32, #tpu.memory_space<vmem>>
    %dma_start3A_405 = arith.constant 0 : i32
    %dma_start3A_406 = arith.constant 0 : i32
    %dma_start3A_407 = tpu.memref_slice %arg12[%dma_start3A_405, %dma_start3A_406] : memref<10000x128xf32, #tpu.memory_space<vmem_shared>> -> memref<10000x128xf32, #tpu.memory_space<vmem_shared>>
    tpu.enqueue_indirect_dma source(%arg9 : memref<80x128xf32, #tpu.memory_space<vmem>>) target(%dma_start3A_407 : memref<10000x128xf32, #tpu.memory_space<vmem_shared>>) offsets(%dma_start3A_404 : memref<80xi32, #tpu.memory_space<vmem>>) semaphore(%arg17 : memref<!tpu.dma_semaphore, #tpu.memory_space<semaphore_mem>>) {add = true}
    %dma_wait3A_408 = arith.constant 60 : i32
    %dma_wait3A_409 = arith.constant 0 : i32
    %dma_wait3A_410 = tpu.memref_slice %arg7[%dma_wait3A_408, %dma_wait3A_409] : memref<64x80xi32, #tpu.memory_space<vmem>> -> memref<1x80xi32, #tpu.memory_space<vmem>>
    %dma_wait3A_411 = tpu.memref_squeeze %dma_wait3A_410 : memref<1x80xi32, #tpu.memory_space<vmem>> -> memref<80xi32, #tpu.memory_space<vmem>>
    %dma_wait3A_412 = arith.constant 0 : i32
    %dma_wait3A_413 = arith.constant 0 : i32
    %dma_wait3A_414 = tpu.memref_slice %arg12[%dma_wait3A_412, %dma_wait3A_413] : memref<10000x128xf32, #tpu.memory_space<vmem_shared>> -> memref<10000x128xf32, #tpu.memory_space<vmem_shared>>
    tpu.wait_indirect_dma semaphore(%arg16 : memref<!tpu.dma_semaphore, #tpu.memory_space<semaphore_mem>>) src(%arg8 : memref<80x128xf32, #tpu.memory_space<vmem>>) dst(%dma_wait3A_414 : memref<10000x128xf32, #tpu.memory_space<vmem_shared>>)
    %dma_start3A_415 = arith.constant 63 : i32
    %dma_start3A_416 = arith.constant 0 : i32
    %dma_start3A_417 = tpu.memref_slice %arg6[%dma_start3A_415, %dma_start3A_416] : memref<64x80xi32, #tpu.memory_space<vmem>> -> memref<1x80xi32, #tpu.memory_space<vmem>>
    %dma_start3A_418 = tpu.memref_squeeze %dma_start3A_417 : memref<1x80xi32, #tpu.memory_space<vmem>> -> memref<80xi32, #tpu.memory_space<vmem>>
    %dma_start3A_419 = arith.constant 0 : i32
    %dma_start3A_420 = arith.constant 0 : i32
    %dma_start3A_421 = tpu.memref_slice %arg4[%dma_start3A_419, %dma_start3A_420] : memref<10000x128xf32, #tpu.memory_space<hbm>> -> memref<10000x128xf32, #tpu.memory_space<hbm>>
    tpu.enqueue_indirect_dma source(%dma_start3A_421 : memref<10000x128xf32, #tpu.memory_space<hbm>>) target(%arg8 : memref<80x128xf32, #tpu.memory_space<vmem>>) offsets(%dma_start3A_418 : memref<80xi32, #tpu.memory_space<vmem>>) semaphore(%arg13 : memref<!tpu.dma_semaphore, #tpu.memory_space<semaphore_mem>>)
    %dma_wait3A_422 = arith.constant 62 : i32
    %dma_wait3A_423 = arith.constant 0 : i32
    %dma_wait3A_424 = tpu.memref_slice %arg6[%dma_wait3A_422, %dma_wait3A_423] : memref<64x80xi32, #tpu.memory_space<vmem>> -> memref<1x80xi32, #tpu.memory_space<vmem>>
    %dma_wait3A_425 = tpu.memref_squeeze %dma_wait3A_424 : memref<1x80xi32, #tpu.memory_space<vmem>> -> memref<80xi32, #tpu.memory_space<vmem>>
    %dma_wait3A_426 = arith.constant 0 : i32
    %dma_wait3A_427 = arith.constant 0 : i32
    %dma_wait3A_428 = tpu.memref_slice %arg4[%dma_wait3A_426, %dma_wait3A_427] : memref<10000x128xf32, #tpu.memory_space<hbm>> -> memref<10000x128xf32, #tpu.memory_space<hbm>>
    tpu.wait_indirect_dma semaphore(%arg15 : memref<!tpu.dma_semaphore, #tpu.memory_space<semaphore_mem>>) src(%dma_wait3A_428 : memref<10000x128xf32, #tpu.memory_space<hbm>>) dst(%arg10 : memref<80x128xf32, #tpu.memory_space<vmem>>)
    %dma_start3A_429 = arith.constant 62 : i32
    %dma_start3A_430 = arith.constant 0 : i32
    %dma_start3A_431 = tpu.memref_slice %arg7[%dma_start3A_429, %dma_start3A_430] : memref<64x80xi32, #tpu.memory_space<vmem>> -> memref<1x80xi32, #tpu.memory_space<vmem>>
    %dma_start3A_432 = tpu.memref_squeeze %dma_start3A_431 : memref<1x80xi32, #tpu.memory_space<vmem>> -> memref<80xi32, #tpu.memory_space<vmem>>
    %dma_start3A_433 = arith.constant 0 : i32
    %dma_start3A_434 = arith.constant 0 : i32
    %dma_start3A_435 = tpu.memref_slice %arg12[%dma_start3A_433, %dma_start3A_434] : memref<10000x128xf32, #tpu.memory_space<vmem_shared>> -> memref<10000x128xf32, #tpu.memory_space<vmem_shared>>
    tpu.enqueue_indirect_dma source(%arg10 : memref<80x128xf32, #tpu.memory_space<vmem>>) target(%dma_start3A_435 : memref<10000x128xf32, #tpu.memory_space<vmem_shared>>) offsets(%dma_start3A_432 : memref<80xi32, #tpu.memory_space<vmem>>) semaphore(%arg18 : memref<!tpu.dma_semaphore, #tpu.memory_space<semaphore_mem>>) {add = true}
    %dma_wait3A_436 = arith.constant 61 : i32
    %dma_wait3A_437 = arith.constant 0 : i32
    %dma_wait3A_438 = tpu.memref_slice %arg7[%dma_wait3A_436, %dma_wait3A_437] : memref<64x80xi32, #tpu.memory_space<vmem>> -> memref<1x80xi32, #tpu.memory_space<vmem>>
    %dma_wait3A_439 = tpu.memref_squeeze %dma_wait3A_438 : memref<1x80xi32, #tpu.memory_space<vmem>> -> memref<80xi32, #tpu.memory_space<vmem>>
    %dma_wait3A_440 = arith.constant 0 : i32
    %dma_wait3A_441 = arith.constant 0 : i32
    %dma_wait3A_442 = tpu.memref_slice %arg12[%dma_wait3A_440, %dma_wait3A_441] : memref<10000x128xf32, #tpu.memory_space<vmem_shared>> -> memref<10000x128xf32, #tpu.memory_space<vmem_shared>>
    tpu.wait_indirect_dma semaphore(%arg17 : memref<!tpu.dma_semaphore, #tpu.memory_space<semaphore_mem>>) src(%arg9 : memref<80x128xf32, #tpu.memory_space<vmem>>) dst(%dma_wait3A_442 : memref<10000x128xf32, #tpu.memory_space<vmem_shared>>)
    %dma_wait3A_443 = arith.constant 63 : i32
    %dma_wait3A_444 = arith.constant 0 : i32
    %dma_wait3A_445 = tpu.memref_slice %arg6[%dma_wait3A_443, %dma_wait3A_444] : memref<64x80xi32, #tpu.memory_space<vmem>> -> memref<1x80xi32, #tpu.memory_space<vmem>>
    %dma_wait3A_446 = tpu.memref_squeeze %dma_wait3A_445 : memref<1x80xi32, #tpu.memory_space<vmem>> -> memref<80xi32, #tpu.memory_space<vmem>>
    %dma_wait3A_447 = arith.constant 0 : i32
    %dma_wait3A_448 = arith.constant 0 : i32
    %dma_wait3A_449 = tpu.memref_slice %arg4[%dma_wait3A_447, %dma_wait3A_448] : memref<10000x128xf32, #tpu.memory_space<hbm>> -> memref<10000x128xf32, #tpu.memory_space<hbm>>
    tpu.wait_indirect_dma semaphore(%arg13 : memref<!tpu.dma_semaphore, #tpu.memory_space<semaphore_mem>>) src(%dma_wait3A_449 : memref<10000x128xf32, #tpu.memory_space<hbm>>) dst(%arg8 : memref<80x128xf32, #tpu.memory_space<vmem>>)
    %dma_start3A_450 = arith.constant 63 : i32
    %dma_start3A_451 = arith.constant 0 : i32
    %dma_start3A_452 = tpu.memref_slice %arg7[%dma_start3A_450, %dma_start3A_451] : memref<64x80xi32, #tpu.memory_space<vmem>> -> memref<1x80xi32, #tpu.memory_space<vmem>>
    %dma_start3A_453 = tpu.memref_squeeze %dma_start3A_452 : memref<1x80xi32, #tpu.memory_space<vmem>> -> memref<80xi32, #tpu.memory_space<vmem>>
    %dma_start3A_454 = arith.constant 0 : i32
    %dma_start3A_455 = arith.constant 0 : i32
    %dma_start3A_456 = tpu.memref_slice %arg12[%dma_start3A_454, %dma_start3A_455] : memref<10000x128xf32, #tpu.memory_space<vmem_shared>> -> memref<10000x128xf32, #tpu.memory_space<vmem_shared>>
    tpu.enqueue_indirect_dma source(%arg8 : memref<80x128xf32, #tpu.memory_space<vmem>>) target(%dma_start3A_456 : memref<10000x128xf32, #tpu.memory_space<vmem_shared>>) offsets(%dma_start3A_453 : memref<80xi32, #tpu.memory_space<vmem>>) semaphore(%arg16 : memref<!tpu.dma_semaphore, #tpu.memory_space<semaphore_mem>>) {add = true}
    %dma_wait3A_457 = arith.constant 62 : i32
    %dma_wait3A_458 = arith.constant 0 : i32
    %dma_wait3A_459 = tpu.memref_slice %arg7[%dma_wait3A_457, %dma_wait3A_458] : memref<64x80xi32, #tpu.memory_space<vmem>> -> memref<1x80xi32, #tpu.memory_space<vmem>>
    %dma_wait3A_460 = tpu.memref_squeeze %dma_wait3A_459 : memref<1x80xi32, #tpu.memory_space<vmem>> -> memref<80xi32, #tpu.memory_space<vmem>>
    %dma_wait3A_461 = arith.constant 0 : i32
    %dma_wait3A_462 = arith.constant 0 : i32
    %dma_wait3A_463 = tpu.memref_slice %arg12[%dma_wait3A_461, %dma_wait3A_462] : memref<10000x128xf32, #tpu.memory_space<vmem_shared>> -> memref<10000x128xf32, #tpu.memory_space<vmem_shared>>
    tpu.wait_indirect_dma semaphore(%arg18 : memref<!tpu.dma_semaphore, #tpu.memory_space<semaphore_mem>>) src(%arg10 : memref<80x128xf32, #tpu.memory_space<vmem>>) dst(%dma_wait3A_463 : memref<10000x128xf32, #tpu.memory_space<vmem_shared>>)
    %dma_wait3A_464 = arith.constant 63 : i32
    %dma_wait3A_465 = arith.constant 0 : i32
    %dma_wait3A_466 = tpu.memref_slice %arg7[%dma_wait3A_464, %dma_wait3A_465] : memref<64x80xi32, #tpu.memory_space<vmem>> -> memref<1x80xi32, #tpu.memory_space<vmem>>
    %dma_wait3A_467 = tpu.memref_squeeze %dma_wait3A_466 : memref<1x80xi32, #tpu.memory_space<vmem>> -> memref<80xi32, #tpu.memory_space<vmem>>
    %dma_wait3A_468 = arith.constant 0 : i32
    %dma_wait3A_469 = arith.constant 0 : i32
    %dma_wait3A_470 = tpu.memref_slice %arg12[%dma_wait3A_468, %dma_wait3A_469] : memref<10000x128xf32, #tpu.memory_space<vmem_shared>> -> memref<10000x128xf32, #tpu.memory_space<vmem_shared>>
    tpu.wait_indirect_dma semaphore(%arg16 : memref<!tpu.dma_semaphore, #tpu.memory_space<semaphore_mem>>) src(%arg8 : memref<80x128xf32, #tpu.memory_space<vmem>>) dst(%dma_wait3A_470 : memref<10000x128xf32, #tpu.memory_space<vmem_shared>>)
    %dma_start3A_471 = arith.constant 0 : i32
    %dma_start3A_472 = arith.constant 0 : i32
    %dma_start3A_473 = tpu.memref_slice %arg6[%dma_start3A_471, %dma_start3A_472] : memref<64x80xi32, #tpu.memory_space<vmem>> -> memref<61x80xi32, #tpu.memory_space<vmem>>
    %dma_start3A_474 = arith.constant 64 : i32
    %dma_start3A_475 = arith.constant 0 : i32
    %dma_start3A_476 = tpu.memref_slice %arg2[%arg0, %arg1, %dma_start3A_474, %dma_start3A_475] : memref<2x16x125x80xi32, #tpu.memory_space<hbm>> -> memref<1x1x61x80xi32, #tpu.memory_space<hbm>>
    %dma_start3A_477 = tpu.memref_squeeze %dma_start3A_476 : memref<1x1x61x80xi32, #tpu.memory_space<hbm>> -> memref<61x80xi32, #tpu.memory_space<hbm>>
    %dma_start3A_478 = arith.constant 0 : i32
    %dma_start3A_479 = arith.constant 0 : i32
    %dma_start3A_480 = tpu.memref_slice %arg6[%dma_start3A_478, %dma_start3A_479] : memref<64x80xi32, #tpu.memory_space<vmem>> -> memref<61x80xi32, #tpu.memory_space<vmem>>
    %dma_start3A_481 = arith.constant 64 : i32
    %dma_start3A_482 = arith.constant 0 : i32
    %dma_start3A_483 = tpu.memref_slice %arg2[%arg0, %arg1, %dma_start3A_481, %dma_start3A_482] : memref<2x16x125x80xi32, #tpu.memory_space<hbm>> -> memref<1x1x61x80xi32, #tpu.memory_space<hbm>>
    %dma_start3A_484 = tpu.memref_squeeze %dma_start3A_483 : memref<1x1x61x80xi32, #tpu.memory_space<hbm>> -> memref<61x80xi32, #tpu.memory_space<hbm>>
    tpu.enqueue_dma source(%dma_start3A_484 : memref<61x80xi32, #tpu.memory_space<hbm>>) target(%dma_start3A_480 : memref<61x80xi32, #tpu.memory_space<vmem>>) target_semaphore(%arg13 : memref<!tpu.dma_semaphore, #tpu.memory_space<semaphore_mem>>)
    %dma_start3A_485 = arith.constant 0 : i32
    %dma_start3A_486 = arith.constant 0 : i32
    %dma_start3A_487 = tpu.memref_slice %arg7[%dma_start3A_485, %dma_start3A_486] : memref<64x80xi32, #tpu.memory_space<vmem>> -> memref<61x80xi32, #tpu.memory_space<vmem>>
    %dma_start3A_488 = arith.constant 64 : i32
    %dma_start3A_489 = arith.constant 0 : i32
    %dma_start3A_490 = tpu.memref_slice %arg3[%arg0, %arg1, %dma_start3A_488, %dma_start3A_489] : memref<2x16x125x80xi32, #tpu.memory_space<hbm>> -> memref<1x1x61x80xi32, #tpu.memory_space<hbm>>
    %dma_start3A_491 = tpu.memref_squeeze %dma_start3A_490 : memref<1x1x61x80xi32, #tpu.memory_space<hbm>> -> memref<61x80xi32, #tpu.memory_space<hbm>>
    %dma_start3A_492 = arith.constant 0 : i32
    %dma_start3A_493 = arith.constant 0 : i32
    %dma_start3A_494 = tpu.memref_slice %arg7[%dma_start3A_492, %dma_start3A_493] : memref<64x80xi32, #tpu.memory_space<vmem>> -> memref<61x80xi32, #tpu.memory_space<vmem>>
    %dma_start3A_495 = arith.constant 64 : i32
    %dma_start3A_496 = arith.constant 0 : i32
    %dma_start3A_497 = tpu.memref_slice %arg3[%arg0, %arg1, %dma_start3A_495, %dma_start3A_496] : memref<2x16x125x80xi32, #tpu.memory_space<hbm>> -> memref<1x1x61x80xi32, #tpu.memory_space<hbm>>
    %dma_start3A_498 = tpu.memref_squeeze %dma_start3A_497 : memref<1x1x61x80xi32, #tpu.memory_space<hbm>> -> memref<61x80xi32, #tpu.memory_space<hbm>>
    tpu.enqueue_dma source(%dma_start3A_498 : memref<61x80xi32, #tpu.memory_space<hbm>>) target(%dma_start3A_494 : memref<61x80xi32, #tpu.memory_space<vmem>>) target_semaphore(%arg14 : memref<!tpu.dma_semaphore, #tpu.memory_space<semaphore_mem>>)
    %dma_wait3A_499 = arith.constant 0 : i32
    %dma_wait3A_500 = arith.constant 0 : i32
    %dma_wait3A_501 = tpu.memref_slice %arg6[%dma_wait3A_499, %dma_wait3A_500] : memref<64x80xi32, #tpu.memory_space<vmem>> -> memref<61x80xi32, #tpu.memory_space<vmem>>
    %dma_wait3A_502 = arith.constant 64 : i32
    %dma_wait3A_503 = arith.constant 0 : i32
    %dma_wait3A_504 = tpu.memref_slice %arg2[%arg0, %arg1, %dma_wait3A_502, %dma_wait3A_503] : memref<2x16x125x80xi32, #tpu.memory_space<hbm>> -> memref<1x1x61x80xi32, #tpu.memory_space<hbm>>
    %dma_wait3A_505 = tpu.memref_squeeze %dma_wait3A_504 : memref<1x1x61x80xi32, #tpu.memory_space<hbm>> -> memref<61x80xi32, #tpu.memory_space<hbm>>
    %dma_wait3A_506 = arith.constant 0 : i32
    %dma_wait3A_507 = arith.constant 0 : i32
    %dma_wait3A_508 = tpu.memref_slice %arg6[%dma_wait3A_506, %dma_wait3A_507] : memref<64x80xi32, #tpu.memory_space<vmem>> -> memref<61x80xi32, #tpu.memory_space<vmem>>
    %dma_wait3A_509 = arith.constant 64 : i32
    %dma_wait3A_510 = arith.constant 0 : i32
    %dma_wait3A_511 = tpu.memref_slice %arg2[%arg0, %arg1, %dma_wait3A_509, %dma_wait3A_510] : memref<2x16x125x80xi32, #tpu.memory_space<hbm>> -> memref<1x1x61x80xi32, #tpu.memory_space<hbm>>
    %dma_wait3A_512 = tpu.memref_squeeze %dma_wait3A_511 : memref<1x1x61x80xi32, #tpu.memory_space<hbm>> -> memref<61x80xi32, #tpu.memory_space<hbm>>
    tpu.wait_dma2 semaphore(%arg13 : memref<!tpu.dma_semaphore, #tpu.memory_space<semaphore_mem>>) src(%dma_wait3A_512 : memref<61x80xi32, #tpu.memory_space<hbm>>) dst(%dma_wait3A_508 : memref<61x80xi32, #tpu.memory_space<vmem>>)
    %dma_wait3A_513 = arith.constant 0 : i32
    %dma_wait3A_514 = arith.constant 0 : i32
    %dma_wait3A_515 = tpu.memref_slice %arg7[%dma_wait3A_513, %dma_wait3A_514] : memref<64x80xi32, #tpu.memory_space<vmem>> -> memref<61x80xi32, #tpu.memory_space<vmem>>
    %dma_wait3A_516 = arith.constant 64 : i32
    %dma_wait3A_517 = arith.constant 0 : i32
    %dma_wait3A_518 = tpu.memref_slice %arg3[%arg0, %arg1, %dma_wait3A_516, %dma_wait3A_517] : memref<2x16x125x80xi32, #tpu.memory_space<hbm>> -> memref<1x1x61x80xi32, #tpu.memory_space<hbm>>
    %dma_wait3A_519 = tpu.memref_squeeze %dma_wait3A_518 : memref<1x1x61x80xi32, #tpu.memory_space<hbm>> -> memref<61x80xi32, #tpu.memory_space<hbm>>
    %dma_wait3A_520 = arith.constant 0 : i32
    %dma_wait3A_521 = arith.constant 0 : i32
    %dma_wait3A_522 = tpu.memref_slice %arg7[%dma_wait3A_520, %dma_wait3A_521] : memref<64x80xi32, #tpu.memory_space<vmem>> -> memref<61x80xi32, #tpu.memory_space<vmem>>
    %dma_wait3A_523 = arith.constant 64 : i32
    %dma_wait3A_524 = arith.constant 0 : i32
    %dma_wait3A_525 = tpu.memref_slice %arg3[%arg0, %arg1, %dma_wait3A_523, %dma_wait3A_524] : memref<2x16x125x80xi32, #tpu.memory_space<hbm>> -> memref<1x1x61x80xi32, #tpu.memory_space<hbm>>
    %dma_wait3A_526 = tpu.memref_squeeze %dma_wait3A_525 : memref<1x1x61x80xi32, #tpu.memory_space<hbm>> -> memref<61x80xi32, #tpu.memory_space<hbm>>
    tpu.wait_dma2 semaphore(%arg14 : memref<!tpu.dma_semaphore, #tpu.memory_space<semaphore_mem>>) src(%dma_wait3A_526 : memref<61x80xi32, #tpu.memory_space<hbm>>) dst(%dma_wait3A_522 : memref<61x80xi32, #tpu.memory_space<vmem>>)
    %dma_start3A_527 = arith.constant 0 : i32
    %dma_start3A_528 = arith.constant 0 : i32
    %dma_start3A_529 = tpu.memref_slice %arg6[%dma_start3A_527, %dma_start3A_528] : memref<64x80xi32, #tpu.memory_space<vmem>> -> memref<1x80xi32, #tpu.memory_space<vmem>>
    %dma_start3A_530 = tpu.memref_squeeze %dma_start3A_529 : memref<1x80xi32, #tpu.memory_space<vmem>> -> memref<80xi32, #tpu.memory_space<vmem>>
    %dma_start3A_531 = arith.constant 0 : i32
    %dma_start3A_532 = arith.constant 0 : i32
    %dma_start3A_533 = tpu.memref_slice %arg4[%dma_start3A_531, %dma_start3A_532] : memref<10000x128xf32, #tpu.memory_space<hbm>> -> memref<10000x128xf32, #tpu.memory_space<hbm>>
    tpu.enqueue_indirect_dma source(%dma_start3A_533 : memref<10000x128xf32, #tpu.memory_space<hbm>>) target(%arg8 : memref<80x128xf32, #tpu.memory_space<vmem>>) offsets(%dma_start3A_530 : memref<80xi32, #tpu.memory_space<vmem>>) semaphore(%arg13 : memref<!tpu.dma_semaphore, #tpu.memory_space<semaphore_mem>>)
    %dma_start3A_534 = arith.constant 1 : i32
    %dma_start3A_535 = arith.constant 0 : i32
    %dma_start3A_536 = tpu.memref_slice %arg6[%dma_start3A_534, %dma_start3A_535] : memref<64x80xi32, #tpu.memory_space<vmem>> -> memref<1x80xi32, #tpu.memory_space<vmem>>
    %dma_start3A_537 = tpu.memref_squeeze %dma_start3A_536 : memref<1x80xi32, #tpu.memory_space<vmem>> -> memref<80xi32, #tpu.memory_space<vmem>>
    %dma_start3A_538 = arith.constant 0 : i32
    %dma_start3A_539 = arith.constant 0 : i32
    %dma_start3A_540 = tpu.memref_slice %arg4[%dma_start3A_538, %dma_start3A_539] : memref<10000x128xf32, #tpu.memory_space<hbm>> -> memref<10000x128xf32, #tpu.memory_space<hbm>>
    tpu.enqueue_indirect_dma source(%dma_start3A_540 : memref<10000x128xf32, #tpu.memory_space<hbm>>) target(%arg9 : memref<80x128xf32, #tpu.memory_space<vmem>>) offsets(%dma_start3A_537 : memref<80xi32, #tpu.memory_space<vmem>>) semaphore(%arg14 : memref<!tpu.dma_semaphore, #tpu.memory_space<semaphore_mem>>)
    %dma_wait3A_541 = arith.constant 0 : i32
    %dma_wait3A_542 = arith.constant 0 : i32
    %dma_wait3A_543 = tpu.memref_slice %arg6[%dma_wait3A_541, %dma_wait3A_542] : memref<64x80xi32, #tpu.memory_space<vmem>> -> memref<1x80xi32, #tpu.memory_space<vmem>>
    %dma_wait3A_544 = tpu.memref_squeeze %dma_wait3A_543 : memref<1x80xi32, #tpu.memory_space<vmem>> -> memref<80xi32, #tpu.memory_space<vmem>>
    %dma_wait3A_545 = arith.constant 0 : i32
    %dma_wait3A_546 = arith.constant 0 : i32
    %dma_wait3A_547 = tpu.memref_slice %arg4[%dma_wait3A_545, %dma_wait3A_546] : memref<10000x128xf32, #tpu.memory_space<hbm>> -> memref<10000x128xf32, #tpu.memory_space<hbm>>
    tpu.wait_indirect_dma semaphore(%arg13 : memref<!tpu.dma_semaphore, #tpu.memory_space<semaphore_mem>>) src(%dma_wait3A_547 : memref<10000x128xf32, #tpu.memory_space<hbm>>) dst(%arg8 : memref<80x128xf32, #tpu.memory_space<vmem>>)
    %dma_start3A_548 = arith.constant 0 : i32
    %dma_start3A_549 = arith.constant 0 : i32
    %dma_start3A_550 = tpu.memref_slice %arg7[%dma_start3A_548, %dma_start3A_549] : memref<64x80xi32, #tpu.memory_space<vmem>> -> memref<1x80xi32, #tpu.memory_space<vmem>>
    %dma_start3A_551 = tpu.memref_squeeze %dma_start3A_550 : memref<1x80xi32, #tpu.memory_space<vmem>> -> memref<80xi32, #tpu.memory_space<vmem>>
    %dma_start3A_552 = arith.constant 0 : i32
    %dma_start3A_553 = arith.constant 0 : i32
    %dma_start3A_554 = tpu.memref_slice %arg12[%dma_start3A_552, %dma_start3A_553] : memref<10000x128xf32, #tpu.memory_space<vmem_shared>> -> memref<10000x128xf32, #tpu.memory_space<vmem_shared>>
    tpu.enqueue_indirect_dma source(%arg8 : memref<80x128xf32, #tpu.memory_space<vmem>>) target(%dma_start3A_554 : memref<10000x128xf32, #tpu.memory_space<vmem_shared>>) offsets(%dma_start3A_551 : memref<80xi32, #tpu.memory_space<vmem>>) semaphore(%arg16 : memref<!tpu.dma_semaphore, #tpu.memory_space<semaphore_mem>>) {add = true}
    %dma_start3A_555 = arith.constant 2 : i32
    %dma_start3A_556 = arith.constant 0 : i32
    %dma_start3A_557 = tpu.memref_slice %arg6[%dma_start3A_555, %dma_start3A_556] : memref<64x80xi32, #tpu.memory_space<vmem>> -> memref<1x80xi32, #tpu.memory_space<vmem>>
    %dma_start3A_558 = tpu.memref_squeeze %dma_start3A_557 : memref<1x80xi32, #tpu.memory_space<vmem>> -> memref<80xi32, #tpu.memory_space<vmem>>
    %dma_start3A_559 = arith.constant 0 : i32
    %dma_start3A_560 = arith.constant 0 : i32
    %dma_start3A_561 = tpu.memref_slice %arg4[%dma_start3A_559, %dma_start3A_560] : memref<10000x128xf32, #tpu.memory_space<hbm>> -> memref<10000x128xf32, #tpu.memory_space<hbm>>
    tpu.enqueue_indirect_dma source(%dma_start3A_561 : memref<10000x128xf32, #tpu.memory_space<hbm>>) target(%arg10 : memref<80x128xf32, #tpu.memory_space<vmem>>) offsets(%dma_start3A_558 : memref<80xi32, #tpu.memory_space<vmem>>) semaphore(%arg15 : memref<!tpu.dma_semaphore, #tpu.memory_space<semaphore_mem>>)
    %scan3A_562 = arith.constant 0 : i32
    %scan3A_563 = arith.constant 19 : i32
    %scan3A_564 = arith.addi %scan3A_562, %scan3A_563 : i32
    %scan3A_565 = arith.constant 1 : i32
    scf.for %scan3A_650 = %scan3A_562 to %scan3A_564 step %scan3A_565  : i32 {
      %mul3A_651 = arith.constant 3 : i32
      %mul3A_652 = arith.muli %scan3A_650, %mul3A_651 : i32
      %add3A_653 = arith.constant 1 : i32
      %add3A_654 = arith.addi %add3A_653, %mul3A_652 : i32
      %dma_wait3A_655 = arith.constant 0 : i32
      %dma_wait3A_656 = tpu.memref_slice %arg6[%add3A_654, %dma_wait3A_655] : memref<64x80xi32, #tpu.memory_space<vmem>> -> memref<1x80xi32, #tpu.memory_space<vmem>>
      %dma_wait3A_657 = tpu.memref_squeeze %dma_wait3A_656 : memref<1x80xi32, #tpu.memory_space<vmem>> -> memref<80xi32, #tpu.memory_space<vmem>>
      %dma_wait3A_658 = arith.constant 0 : i32
      %dma_wait3A_659 = arith.constant 0 : i32
      %dma_wait3A_660 = tpu.memref_slice %arg4[%dma_wait3A_658, %dma_wait3A_659] : memref<10000x128xf32, #tpu.memory_space<hbm>> -> memref<10000x128xf32, #tpu.memory_space<hbm>>
      tpu.wait_indirect_dma semaphore(%arg14 : memref<!tpu.dma_semaphore, #tpu.memory_space<semaphore_mem>>) src(%dma_wait3A_660 : memref<10000x128xf32, #tpu.memory_space<hbm>>) dst(%arg9 : memref<80x128xf32, #tpu.memory_space<vmem>>)
      %dma_start3A_661 = arith.constant 0 : i32
      %dma_start3A_662 = tpu.memref_slice %arg7[%add3A_654, %dma_start3A_661] : memref<64x80xi32, #tpu.memory_space<vmem>> -> memref<1x80xi32, #tpu.memory_space<vmem>>
      %dma_start3A_663 = tpu.memref_squeeze %dma_start3A_662 : memref<1x80xi32, #tpu.memory_space<vmem>> -> memref<80xi32, #tpu.memory_space<vmem>>
      %dma_start3A_664 = arith.constant 0 : i32
      %dma_start3A_665 = arith.constant 0 : i32
      %dma_start3A_666 = tpu.memref_slice %arg12[%dma_start3A_664, %dma_start3A_665] : memref<10000x128xf32, #tpu.memory_space<vmem_shared>> -> memref<10000x128xf32, #tpu.memory_space<vmem_shared>>
      tpu.enqueue_indirect_dma source(%arg9 : memref<80x128xf32, #tpu.memory_space<vmem>>) target(%dma_start3A_666 : memref<10000x128xf32, #tpu.memory_space<vmem_shared>>) offsets(%dma_start3A_663 : memref<80xi32, #tpu.memory_space<vmem>>) semaphore(%arg17 : memref<!tpu.dma_semaphore, #tpu.memory_space<semaphore_mem>>) {add = true}
      %sub3A = arith.constant 1 : i32
      %sub3A_667 = arith.subi %add3A_654, %sub3A : i32
      %dma_wait3A_668 = arith.constant 0 : i32
      %dma_wait3A_669 = tpu.memref_slice %arg7[%sub3A_667, %dma_wait3A_668] : memref<64x80xi32, #tpu.memory_space<vmem>> -> memref<1x80xi32, #tpu.memory_space<vmem>>
      %dma_wait3A_670 = tpu.memref_squeeze %dma_wait3A_669 : memref<1x80xi32, #tpu.memory_space<vmem>> -> memref<80xi32, #tpu.memory_space<vmem>>
      %dma_wait3A_671 = arith.constant 0 : i32
      %dma_wait3A_672 = arith.constant 0 : i32
      %dma_wait3A_673 = tpu.memref_slice %arg12[%dma_wait3A_671, %dma_wait3A_672] : memref<10000x128xf32, #tpu.memory_space<vmem_shared>> -> memref<10000x128xf32, #tpu.memory_space<vmem_shared>>
      tpu.wait_indirect_dma semaphore(%arg16 : memref<!tpu.dma_semaphore, #tpu.memory_space<semaphore_mem>>) src(%arg8 : memref<80x128xf32, #tpu.memory_space<vmem>>) dst(%dma_wait3A_673 : memref<10000x128xf32, #tpu.memory_space<vmem_shared>>)
      %add3A_674 = arith.constant 2 : i32
      %add3A_675 = arith.addi %add3A_654, %add3A_674 : i32
      %dma_start3A_676 = arith.constant 0 : i32
      %dma_start3A_677 = tpu.memref_slice %arg6[%add3A_675, %dma_start3A_676] : memref<64x80xi32, #tpu.memory_space<vmem>> -> memref<1x80xi32, #tpu.memory_space<vmem>>
      %dma_start3A_678 = tpu.memref_squeeze %dma_start3A_677 : memref<1x80xi32, #tpu.memory_space<vmem>> -> memref<80xi32, #tpu.memory_space<vmem>>
      %dma_start3A_679 = arith.constant 0 : i32
      %dma_start3A_680 = arith.constant 0 : i32
      %dma_start3A_681 = tpu.memref_slice %arg4[%dma_start3A_679, %dma_start3A_680] : memref<10000x128xf32, #tpu.memory_space<hbm>> -> memref<10000x128xf32, #tpu.memory_space<hbm>>
      tpu.enqueue_indirect_dma source(%dma_start3A_681 : memref<10000x128xf32, #tpu.memory_space<hbm>>) target(%arg8 : memref<80x128xf32, #tpu.memory_space<vmem>>) offsets(%dma_start3A_678 : memref<80xi32, #tpu.memory_space<vmem>>) semaphore(%arg13 : memref<!tpu.dma_semaphore, #tpu.memory_space<semaphore_mem>>)
      %add3A_682 = arith.constant 1 : i32
      %add3A_683 = arith.addi %add3A_654, %add3A_682 : i32
      %dma_wait3A_684 = arith.constant 0 : i32
      %dma_wait3A_685 = tpu.memref_slice %arg6[%add3A_683, %dma_wait3A_684] : memref<64x80xi32, #tpu.memory_space<vmem>> -> memref<1x80xi32, #tpu.memory_space<vmem>>
      %dma_wait3A_686 = tpu.memref_squeeze %dma_wait3A_685 : memref<1x80xi32, #tpu.memory_space<vmem>> -> memref<80xi32, #tpu.memory_space<vmem>>
      %dma_wait3A_687 = arith.constant 0 : i32
      %dma_wait3A_688 = arith.constant 0 : i32
      %dma_wait3A_689 = tpu.memref_slice %arg4[%dma_wait3A_687, %dma_wait3A_688] : memref<10000x128xf32, #tpu.memory_space<hbm>> -> memref<10000x128xf32, #tpu.memory_space<hbm>>
      tpu.wait_indirect_dma semaphore(%arg15 : memref<!tpu.dma_semaphore, #tpu.memory_space<semaphore_mem>>) src(%dma_wait3A_689 : memref<10000x128xf32, #tpu.memory_space<hbm>>) dst(%arg10 : memref<80x128xf32, #tpu.memory_space<vmem>>)
      %dma_start3A_690 = arith.constant 0 : i32
      %dma_start3A_691 = tpu.memref_slice %arg7[%add3A_683, %dma_start3A_690] : memref<64x80xi32, #tpu.memory_space<vmem>> -> memref<1x80xi32, #tpu.memory_space<vmem>>
      %dma_start3A_692 = tpu.memref_squeeze %dma_start3A_691 : memref<1x80xi32, #tpu.memory_space<vmem>> -> memref<80xi32, #tpu.memory_space<vmem>>
      %dma_start3A_693 = arith.constant 0 : i32
      %dma_start3A_694 = arith.constant 0 : i32
      %dma_start3A_695 = tpu.memref_slice %arg12[%dma_start3A_693, %dma_start3A_694] : memref<10000x128xf32, #tpu.memory_space<vmem_shared>> -> memref<10000x128xf32, #tpu.memory_space<vmem_shared>>
      tpu.enqueue_indirect_dma source(%arg10 : memref<80x128xf32, #tpu.memory_space<vmem>>) target(%dma_start3A_695 : memref<10000x128xf32, #tpu.memory_space<vmem_shared>>) offsets(%dma_start3A_692 : memref<80xi32, #tpu.memory_space<vmem>>) semaphore(%arg18 : memref<!tpu.dma_semaphore, #tpu.memory_space<semaphore_mem>>) {add = true}
      %sub3A_696 = arith.constant 1 : i32
      %sub3A_697 = arith.subi %add3A_683, %sub3A_696 : i32
      %dma_wait3A_698 = arith.constant 0 : i32
      %dma_wait3A_699 = tpu.memref_slice %arg7[%sub3A_697, %dma_wait3A_698] : memref<64x80xi32, #tpu.memory_space<vmem>> -> memref<1x80xi32, #tpu.memory_space<vmem>>
      %dma_wait3A_700 = tpu.memref_squeeze %dma_wait3A_699 : memref<1x80xi32, #tpu.memory_space<vmem>> -> memref<80xi32, #tpu.memory_space<vmem>>
      %dma_wait3A_701 = arith.constant 0 : i32
      %dma_wait3A_702 = arith.constant 0 : i32
      %dma_wait3A_703 = tpu.memref_slice %arg12[%dma_wait3A_701, %dma_wait3A_702] : memref<10000x128xf32, #tpu.memory_space<vmem_shared>> -> memref<10000x128xf32, #tpu.memory_space<vmem_shared>>
      tpu.wait_indirect_dma semaphore(%arg17 : memref<!tpu.dma_semaphore, #tpu.memory_space<semaphore_mem>>) src(%arg9 : memref<80x128xf32, #tpu.memory_space<vmem>>) dst(%dma_wait3A_703 : memref<10000x128xf32, #tpu.memory_space<vmem_shared>>)
      %add3A_704 = arith.constant 2 : i32
      %add3A_705 = arith.addi %add3A_683, %add3A_704 : i32
      %dma_start3A_706 = arith.constant 0 : i32
      %dma_start3A_707 = tpu.memref_slice %arg6[%add3A_705, %dma_start3A_706] : memref<64x80xi32, #tpu.memory_space<vmem>> -> memref<1x80xi32, #tpu.memory_space<vmem>>
      %dma_start3A_708 = tpu.memref_squeeze %dma_start3A_707 : memref<1x80xi32, #tpu.memory_space<vmem>> -> memref<80xi32, #tpu.memory_space<vmem>>
      %dma_start3A_709 = arith.constant 0 : i32
      %dma_start3A_710 = arith.constant 0 : i32
      %dma_start3A_711 = tpu.memref_slice %arg4[%dma_start3A_709, %dma_start3A_710] : memref<10000x128xf32, #tpu.memory_space<hbm>> -> memref<10000x128xf32, #tpu.memory_space<hbm>>
      tpu.enqueue_indirect_dma source(%dma_start3A_711 : memref<10000x128xf32, #tpu.memory_space<hbm>>) target(%arg9 : memref<80x128xf32, #tpu.memory_space<vmem>>) offsets(%dma_start3A_708 : memref<80xi32, #tpu.memory_space<vmem>>) semaphore(%arg14 : memref<!tpu.dma_semaphore, #tpu.memory_space<semaphore_mem>>)
      %add3A_712 = arith.constant 2 : i32
      %add3A_713 = arith.addi %add3A_654, %add3A_712 : i32
      %dma_wait3A_714 = arith.constant 0 : i32
      %dma_wait3A_715 = tpu.memref_slice %arg6[%add3A_713, %dma_wait3A_714] : memref<64x80xi32, #tpu.memory_space<vmem>> -> memref<1x80xi32, #tpu.memory_space<vmem>>
      %dma_wait3A_716 = tpu.memref_squeeze %dma_wait3A_715 : memref<1x80xi32, #tpu.memory_space<vmem>> -> memref<80xi32, #tpu.memory_space<vmem>>
      %dma_wait3A_717 = arith.constant 0 : i32
      %dma_wait3A_718 = arith.constant 0 : i32
      %dma_wait3A_719 = tpu.memref_slice %arg4[%dma_wait3A_717, %dma_wait3A_718] : memref<10000x128xf32, #tpu.memory_space<hbm>> -> memref<10000x128xf32, #tpu.memory_space<hbm>>
      tpu.wait_indirect_dma semaphore(%arg13 : memref<!tpu.dma_semaphore, #tpu.memory_space<semaphore_mem>>) src(%dma_wait3A_719 : memref<10000x128xf32, #tpu.memory_space<hbm>>) dst(%arg8 : memref<80x128xf32, #tpu.memory_space<vmem>>)
      %dma_start3A_720 = arith.constant 0 : i32
      %dma_start3A_721 = tpu.memref_slice %arg7[%add3A_713, %dma_start3A_720] : memref<64x80xi32, #tpu.memory_space<vmem>> -> memref<1x80xi32, #tpu.memory_space<vmem>>
      %dma_start3A_722 = tpu.memref_squeeze %dma_start3A_721 : memref<1x80xi32, #tpu.memory_space<vmem>> -> memref<80xi32, #tpu.memory_space<vmem>>
      %dma_start3A_723 = arith.constant 0 : i32
      %dma_start3A_724 = arith.constant 0 : i32
      %dma_start3A_725 = tpu.memref_slice %arg12[%dma_start3A_723, %dma_start3A_724] : memref<10000x128xf32, #tpu.memory_space<vmem_shared>> -> memref<10000x128xf32, #tpu.memory_space<vmem_shared>>
      tpu.enqueue_indirect_dma source(%arg8 : memref<80x128xf32, #tpu.memory_space<vmem>>) target(%dma_start3A_725 : memref<10000x128xf32, #tpu.memory_space<vmem_shared>>) offsets(%dma_start3A_722 : memref<80xi32, #tpu.memory_space<vmem>>) semaphore(%arg16 : memref<!tpu.dma_semaphore, #tpu.memory_space<semaphore_mem>>) {add = true}
      %sub3A_726 = arith.constant 1 : i32
      %sub3A_727 = arith.subi %add3A_713, %sub3A_726 : i32
      %dma_wait3A_728 = arith.constant 0 : i32
      %dma_wait3A_729 = tpu.memref_slice %arg7[%sub3A_727, %dma_wait3A_728] : memref<64x80xi32, #tpu.memory_space<vmem>> -> memref<1x80xi32, #tpu.memory_space<vmem>>
      %dma_wait3A_730 = tpu.memref_squeeze %dma_wait3A_729 : memref<1x80xi32, #tpu.memory_space<vmem>> -> memref<80xi32, #tpu.memory_space<vmem>>
      %dma_wait3A_731 = arith.constant 0 : i32
      %dma_wait3A_732 = arith.constant 0 : i32
      %dma_wait3A_733 = tpu.memref_slice %arg12[%dma_wait3A_731, %dma_wait3A_732] : memref<10000x128xf32, #tpu.memory_space<vmem_shared>> -> memref<10000x128xf32, #tpu.memory_space<vmem_shared>>
      tpu.wait_indirect_dma semaphore(%arg18 : memref<!tpu.dma_semaphore, #tpu.memory_space<semaphore_mem>>) src(%arg10 : memref<80x128xf32, #tpu.memory_space<vmem>>) dst(%dma_wait3A_733 : memref<10000x128xf32, #tpu.memory_space<vmem_shared>>)
      %add3A_734 = arith.constant 2 : i32
      %add3A_735 = arith.addi %add3A_713, %add3A_734 : i32
      %dma_start3A_736 = arith.constant 0 : i32
      %dma_start3A_737 = tpu.memref_slice %arg6[%add3A_735, %dma_start3A_736] : memref<64x80xi32, #tpu.memory_space<vmem>> -> memref<1x80xi32, #tpu.memory_space<vmem>>
      %dma_start3A_738 = tpu.memref_squeeze %dma_start3A_737 : memref<1x80xi32, #tpu.memory_space<vmem>> -> memref<80xi32, #tpu.memory_space<vmem>>
      %dma_start3A_739 = arith.constant 0 : i32
      %dma_start3A_740 = arith.constant 0 : i32
      %dma_start3A_741 = tpu.memref_slice %arg4[%dma_start3A_739, %dma_start3A_740] : memref<10000x128xf32, #tpu.memory_space<hbm>> -> memref<10000x128xf32, #tpu.memory_space<hbm>>
      tpu.enqueue_indirect_dma source(%dma_start3A_741 : memref<10000x128xf32, #tpu.memory_space<hbm>>) target(%arg10 : memref<80x128xf32, #tpu.memory_space<vmem>>) offsets(%dma_start3A_738 : memref<80xi32, #tpu.memory_space<vmem>>) semaphore(%arg15 : memref<!tpu.dma_semaphore, #tpu.memory_space<semaphore_mem>>)
    }
    %scan3A_566 = arith.constant 19 : i32
    %dma_wait3A_567 = arith.constant 58 : i32
    %dma_wait3A_568 = arith.constant 0 : i32
    %dma_wait3A_569 = tpu.memref_slice %arg6[%dma_wait3A_567, %dma_wait3A_568] : memref<64x80xi32, #tpu.memory_space<vmem>> -> memref<1x80xi32, #tpu.memory_space<vmem>>
    %dma_wait3A_570 = tpu.memref_squeeze %dma_wait3A_569 : memref<1x80xi32, #tpu.memory_space<vmem>> -> memref<80xi32, #tpu.memory_space<vmem>>
    %dma_wait3A_571 = arith.constant 0 : i32
    %dma_wait3A_572 = arith.constant 0 : i32
    %dma_wait3A_573 = tpu.memref_slice %arg4[%dma_wait3A_571, %dma_wait3A_572] : memref<10000x128xf32, #tpu.memory_space<hbm>> -> memref<10000x128xf32, #tpu.memory_space<hbm>>
    tpu.wait_indirect_dma semaphore(%arg14 : memref<!tpu.dma_semaphore, #tpu.memory_space<semaphore_mem>>) src(%dma_wait3A_573 : memref<10000x128xf32, #tpu.memory_space<hbm>>) dst(%arg9 : memref<80x128xf32, #tpu.memory_space<vmem>>)
    %dma_start3A_574 = arith.constant 58 : i32
    %dma_start3A_575 = arith.constant 0 : i32
    %dma_start3A_576 = tpu.memref_slice %arg7[%dma_start3A_574, %dma_start3A_575] : memref<64x80xi32, #tpu.memory_space<vmem>> -> memref<1x80xi32, #tpu.memory_space<vmem>>
    %dma_start3A_577 = tpu.memref_squeeze %dma_start3A_576 : memref<1x80xi32, #tpu.memory_space<vmem>> -> memref<80xi32, #tpu.memory_space<vmem>>
    %dma_start3A_578 = arith.constant 0 : i32
    %dma_start3A_579 = arith.constant 0 : i32
    %dma_start3A_580 = tpu.memref_slice %arg12[%dma_start3A_578, %dma_start3A_579] : memref<10000x128xf32, #tpu.memory_space<vmem_shared>> -> memref<10000x128xf32, #tpu.memory_space<vmem_shared>>
    tpu.enqueue_indirect_dma source(%arg9 : memref<80x128xf32, #tpu.memory_space<vmem>>) target(%dma_start3A_580 : memref<10000x128xf32, #tpu.memory_space<vmem_shared>>) offsets(%dma_start3A_577 : memref<80xi32, #tpu.memory_space<vmem>>) semaphore(%arg17 : memref<!tpu.dma_semaphore, #tpu.memory_space<semaphore_mem>>) {add = true}
    %dma_wait3A_581 = arith.constant 57 : i32
    %dma_wait3A_582 = arith.constant 0 : i32
    %dma_wait3A_583 = tpu.memref_slice %arg7[%dma_wait3A_581, %dma_wait3A_582] : memref<64x80xi32, #tpu.memory_space<vmem>> -> memref<1x80xi32, #tpu.memory_space<vmem>>
    %dma_wait3A_584 = tpu.memref_squeeze %dma_wait3A_583 : memref<1x80xi32, #tpu.memory_space<vmem>> -> memref<80xi32, #tpu.memory_space<vmem>>
    %dma_wait3A_585 = arith.constant 0 : i32
    %dma_wait3A_586 = arith.constant 0 : i32
    %dma_wait3A_587 = tpu.memref_slice %arg12[%dma_wait3A_585, %dma_wait3A_586] : memref<10000x128xf32, #tpu.memory_space<vmem_shared>> -> memref<10000x128xf32, #tpu.memory_space<vmem_shared>>
    tpu.wait_indirect_dma semaphore(%arg16 : memref<!tpu.dma_semaphore, #tpu.memory_space<semaphore_mem>>) src(%arg8 : memref<80x128xf32, #tpu.memory_space<vmem>>) dst(%dma_wait3A_587 : memref<10000x128xf32, #tpu.memory_space<vmem_shared>>)
    %dma_start3A_588 = arith.constant 60 : i32
    %dma_start3A_589 = arith.constant 0 : i32
    %dma_start3A_590 = tpu.memref_slice %arg6[%dma_start3A_588, %dma_start3A_589] : memref<64x80xi32, #tpu.memory_space<vmem>> -> memref<1x80xi32, #tpu.memory_space<vmem>>
    %dma_start3A_591 = tpu.memref_squeeze %dma_start3A_590 : memref<1x80xi32, #tpu.memory_space<vmem>> -> memref<80xi32, #tpu.memory_space<vmem>>
    %dma_start3A_592 = arith.constant 0 : i32
    %dma_start3A_593 = arith.constant 0 : i32
    %dma_start3A_594 = tpu.memref_slice %arg4[%dma_start3A_592, %dma_start3A_593] : memref<10000x128xf32, #tpu.memory_space<hbm>> -> memref<10000x128xf32, #tpu.memory_space<hbm>>
    tpu.enqueue_indirect_dma source(%dma_start3A_594 : memref<10000x128xf32, #tpu.memory_space<hbm>>) target(%arg8 : memref<80x128xf32, #tpu.memory_space<vmem>>) offsets(%dma_start3A_591 : memref<80xi32, #tpu.memory_space<vmem>>) semaphore(%arg13 : memref<!tpu.dma_semaphore, #tpu.memory_space<semaphore_mem>>)
    %dma_wait3A_595 = arith.constant 59 : i32
    %dma_wait3A_596 = arith.constant 0 : i32
    %dma_wait3A_597 = tpu.memref_slice %arg6[%dma_wait3A_595, %dma_wait3A_596] : memref<64x80xi32, #tpu.memory_space<vmem>> -> memref<1x80xi32, #tpu.memory_space<vmem>>
    %dma_wait3A_598 = tpu.memref_squeeze %dma_wait3A_597 : memref<1x80xi32, #tpu.memory_space<vmem>> -> memref<80xi32, #tpu.memory_space<vmem>>
    %dma_wait3A_599 = arith.constant 0 : i32
    %dma_wait3A_600 = arith.constant 0 : i32
    %dma_wait3A_601 = tpu.memref_slice %arg4[%dma_wait3A_599, %dma_wait3A_600] : memref<10000x128xf32, #tpu.memory_space<hbm>> -> memref<10000x128xf32, #tpu.memory_space<hbm>>
    tpu.wait_indirect_dma semaphore(%arg15 : memref<!tpu.dma_semaphore, #tpu.memory_space<semaphore_mem>>) src(%dma_wait3A_601 : memref<10000x128xf32, #tpu.memory_space<hbm>>) dst(%arg10 : memref<80x128xf32, #tpu.memory_space<vmem>>)
    %dma_start3A_602 = arith.constant 59 : i32
    %dma_start3A_603 = arith.constant 0 : i32
    %dma_start3A_604 = tpu.memref_slice %arg7[%dma_start3A_602, %dma_start3A_603] : memref<64x80xi32, #tpu.memory_space<vmem>> -> memref<1x80xi32, #tpu.memory_space<vmem>>
    %dma_start3A_605 = tpu.memref_squeeze %dma_start3A_604 : memref<1x80xi32, #tpu.memory_space<vmem>> -> memref<80xi32, #tpu.memory_space<vmem>>
    %dma_start3A_606 = arith.constant 0 : i32
    %dma_start3A_607 = arith.constant 0 : i32
    %dma_start3A_608 = tpu.memref_slice %arg12[%dma_start3A_606, %dma_start3A_607] : memref<10000x128xf32, #tpu.memory_space<vmem_shared>> -> memref<10000x128xf32, #tpu.memory_space<vmem_shared>>
    tpu.enqueue_indirect_dma source(%arg10 : memref<80x128xf32, #tpu.memory_space<vmem>>) target(%dma_start3A_608 : memref<10000x128xf32, #tpu.memory_space<vmem_shared>>) offsets(%dma_start3A_605 : memref<80xi32, #tpu.memory_space<vmem>>) semaphore(%arg18 : memref<!tpu.dma_semaphore, #tpu.memory_space<semaphore_mem>>) {add = true}
    %dma_wait3A_609 = arith.constant 58 : i32
    %dma_wait3A_610 = arith.constant 0 : i32
    %dma_wait3A_611 = tpu.memref_slice %arg7[%dma_wait3A_609, %dma_wait3A_610] : memref<64x80xi32, #tpu.memory_space<vmem>> -> memref<1x80xi32, #tpu.memory_space<vmem>>
    %dma_wait3A_612 = tpu.memref_squeeze %dma_wait3A_611 : memref<1x80xi32, #tpu.memory_space<vmem>> -> memref<80xi32, #tpu.memory_space<vmem>>
    %dma_wait3A_613 = arith.constant 0 : i32
    %dma_wait3A_614 = arith.constant 0 : i32
    %dma_wait3A_615 = tpu.memref_slice %arg12[%dma_wait3A_613, %dma_wait3A_614] : memref<10000x128xf32, #tpu.memory_space<vmem_shared>> -> memref<10000x128xf32, #tpu.memory_space<vmem_shared>>
    tpu.wait_indirect_dma semaphore(%arg17 : memref<!tpu.dma_semaphore, #tpu.memory_space<semaphore_mem>>) src(%arg9 : memref<80x128xf32, #tpu.memory_space<vmem>>) dst(%dma_wait3A_615 : memref<10000x128xf32, #tpu.memory_space<vmem_shared>>)
    %dma_wait3A_616 = arith.constant 60 : i32
    %dma_wait3A_617 = arith.constant 0 : i32
    %dma_wait3A_618 = tpu.memref_slice %arg6[%dma_wait3A_616, %dma_wait3A_617] : memref<64x80xi32, #tpu.memory_space<vmem>> -> memref<1x80xi32, #tpu.memory_space<vmem>>
    %dma_wait3A_619 = tpu.memref_squeeze %dma_wait3A_618 : memref<1x80xi32, #tpu.memory_space<vmem>> -> memref<80xi32, #tpu.memory_space<vmem>>
    %dma_wait3A_620 = arith.constant 0 : i32
    %dma_wait3A_621 = arith.constant 0 : i32
    %dma_wait3A_622 = tpu.memref_slice %arg4[%dma_wait3A_620, %dma_wait3A_621] : memref<10000x128xf32, #tpu.memory_space<hbm>> -> memref<10000x128xf32, #tpu.memory_space<hbm>>
    tpu.wait_indirect_dma semaphore(%arg13 : memref<!tpu.dma_semaphore, #tpu.memory_space<semaphore_mem>>) src(%dma_wait3A_622 : memref<10000x128xf32, #tpu.memory_space<hbm>>) dst(%arg8 : memref<80x128xf32, #tpu.memory_space<vmem>>)
    %dma_start3A_623 = arith.constant 60 : i32
    %dma_start3A_624 = arith.constant 0 : i32
    %dma_start3A_625 = tpu.memref_slice %arg7[%dma_start3A_623, %dma_start3A_624] : memref<64x80xi32, #tpu.memory_space<vmem>> -> memref<1x80xi32, #tpu.memory_space<vmem>>
    %dma_start3A_626 = tpu.memref_squeeze %dma_start3A_625 : memref<1x80xi32, #tpu.memory_space<vmem>> -> memref<80xi32, #tpu.memory_space<vmem>>
    %dma_start3A_627 = arith.constant 0 : i32
    %dma_start3A_628 = arith.constant 0 : i32
    %dma_start3A_629 = tpu.memref_slice %arg12[%dma_start3A_627, %dma_start3A_628] : memref<10000x128xf32, #tpu.memory_space<vmem_shared>> -> memref<10000x128xf32, #tpu.memory_space<vmem_shared>>
    tpu.enqueue_indirect_dma source(%arg8 : memref<80x128xf32, #tpu.memory_space<vmem>>) target(%dma_start3A_629 : memref<10000x128xf32, #tpu.memory_space<vmem_shared>>) offsets(%dma_start3A_626 : memref<80xi32, #tpu.memory_space<vmem>>) semaphore(%arg16 : memref<!tpu.dma_semaphore, #tpu.memory_space<semaphore_mem>>) {add = true}
    %dma_wait3A_630 = arith.constant 59 : i32
    %dma_wait3A_631 = arith.constant 0 : i32
    %dma_wait3A_632 = tpu.memref_slice %arg7[%dma_wait3A_630, %dma_wait3A_631] : memref<64x80xi32, #tpu.memory_space<vmem>> -> memref<1x80xi32, #tpu.memory_space<vmem>>
    %dma_wait3A_633 = tpu.memref_squeeze %dma_wait3A_632 : memref<1x80xi32, #tpu.memory_space<vmem>> -> memref<80xi32, #tpu.memory_space<vmem>>
    %dma_wait3A_634 = arith.constant 0 : i32
    %dma_wait3A_635 = arith.constant 0 : i32
    %dma_wait3A_636 = tpu.memref_slice %arg12[%dma_wait3A_634, %dma_wait3A_635] : memref<10000x128xf32, #tpu.memory_space<vmem_shared>> -> memref<10000x128xf32, #tpu.memory_space<vmem_shared>>
    tpu.wait_indirect_dma semaphore(%arg18 : memref<!tpu.dma_semaphore, #tpu.memory_space<semaphore_mem>>) src(%arg10 : memref<80x128xf32, #tpu.memory_space<vmem>>) dst(%dma_wait3A_636 : memref<10000x128xf32, #tpu.memory_space<vmem_shared>>)
    %dma_wait3A_637 = arith.constant 60 : i32
    %dma_wait3A_638 = arith.constant 0 : i32
    %dma_wait3A_639 = tpu.memref_slice %arg7[%dma_wait3A_637, %dma_wait3A_638] : memref<64x80xi32, #tpu.memory_space<vmem>> -> memref<1x80xi32, #tpu.memory_space<vmem>>
    %dma_wait3A_640 = tpu.memref_squeeze %dma_wait3A_639 : memref<1x80xi32, #tpu.memory_space<vmem>> -> memref<80xi32, #tpu.memory_space<vmem>>
    %dma_wait3A_641 = arith.constant 0 : i32
    %dma_wait3A_642 = arith.constant 0 : i32
    %dma_wait3A_643 = tpu.memref_slice %arg12[%dma_wait3A_641, %dma_wait3A_642] : memref<10000x128xf32, #tpu.memory_space<vmem_shared>> -> memref<10000x128xf32, #tpu.memory_space<vmem_shared>>
    tpu.wait_indirect_dma semaphore(%arg16 : memref<!tpu.dma_semaphore, #tpu.memory_space<semaphore_mem>>) src(%arg8 : memref<80x128xf32, #tpu.memory_space<vmem>>) dst(%dma_wait3A_643 : memref<10000x128xf32, #tpu.memory_space<vmem_shared>>)
    %barrier3A_644 = arith.constant 0 : index
    tpu.barrier barrier_id(%barrier3A_644)
    "tpu.region"() ({
      %run_scoped3A = tpu.sem_alloc : memref<!tpu.dma_semaphore, #tpu.memory_space<semaphore_mem>>
      %dma_start3A_650 = arith.constant 0 : i32
      %dma_start3A_651 = arith.constant 0 : i32
      %dma_start3A_652 = tpu.memref_slice %arg5[%arg0, %dma_start3A_650, %dma_start3A_651] : memref<2x10000x128xf32, #tpu.memory_space<hbm>> -> memref<1x10000x128xf32, #tpu.memory_space<hbm>>
      %dma_start3A_653 = tpu.memref_squeeze %dma_start3A_652 : memref<1x10000x128xf32, #tpu.memory_space<hbm>> -> memref<10000x128xf32, #tpu.memory_space<hbm>>
      %dma_start3A_654 = arith.constant 0 : i32
      %dma_start3A_655 = tpu.memref_slice %dma_start3A_653[%mul3A_5, %dma_start3A_654] : memref<10000x128xf32, #tpu.memory_space<hbm>> -> memref<624x128xf32, #tpu.memory_space<hbm>>
      %dma_start3A_656 = arith.constant 0 : i32
      %dma_start3A_657 = tpu.memref_slice %arg12[%mul3A_5, %dma_start3A_656] : memref<10000x128xf32, #tpu.memory_space<vmem_shared>> -> memref<624x128xf32, #tpu.memory_space<vmem_shared>>
      tpu.enqueue_dma source(%dma_start3A_657 : memref<624x128xf32, #tpu.memory_space<vmem_shared>>) target(%dma_start3A_655 : memref<624x128xf32, #tpu.memory_space<hbm>>) target_semaphore(%run_scoped3A : memref<!tpu.dma_semaphore, #tpu.memory_space<semaphore_mem>>)
      %dma_wait3A_658 = arith.constant 0 : i32
      %dma_wait3A_659 = arith.constant 0 : i32
      %dma_wait3A_660 = tpu.memref_slice %arg5[%arg0, %dma_wait3A_658, %dma_wait3A_659] : memref<2x10000x128xf32, #tpu.memory_space<hbm>> -> memref<1x10000x128xf32, #tpu.memory_space<hbm>>
      %dma_wait3A_661 = tpu.memref_squeeze %dma_wait3A_660 : memref<1x10000x128xf32, #tpu.memory_space<hbm>> -> memref<10000x128xf32, #tpu.memory_space<hbm>>
      %dma_wait3A_662 = arith.constant 0 : i32
      %dma_wait3A_663 = tpu.memref_slice %dma_wait3A_661[%mul3A_5, %dma_wait3A_662] : memref<10000x128xf32, #tpu.memory_space<hbm>> -> memref<624x128xf32, #tpu.memory_space<hbm>>
      %dma_wait3A_664 = arith.constant 0 : i32
      %dma_wait3A_665 = tpu.memref_slice %arg12[%mul3A_5, %dma_wait3A_664] : memref<10000x128xf32, #tpu.memory_space<vmem_shared>> -> memref<624x128xf32, #tpu.memory_space<vmem_shared>>
      tpu.wait_dma2 semaphore(%run_scoped3A : memref<!tpu.dma_semaphore, #tpu.memory_space<semaphore_mem>>) src(%dma_wait3A_665 : memref<624x128xf32, #tpu.memory_space<vmem_shared>>) dst(%dma_wait3A_663 : memref<624x128xf32, #tpu.memory_space<hbm>>)
      tpu.yield
    }) : () -> ()
    %eq3A_645 = arith.constant 15 : i32
    %eq3A_646 = arith.cmpi eq, %arg1, %eq3A_645 : i32
    %convert_element_type3A_647 = arith.extui %eq3A_646 : i1 to i32
    %cond3A_648 = arith.constant 0 : i32
    %cond3A_649 = arith.cmpi ne, %convert_element_type3A_647, %cond3A_648 : i32
    scf.if %cond3A_649 {
      "tpu.region"() ({
        %run_scoped3A = tpu.sem_alloc : memref<!tpu.dma_semaphore, #tpu.memory_space<semaphore_mem>>
        %dma_start3A_650 = arith.constant 0 : i32
        %dma_start3A_651 = arith.constant 0 : i32
        %dma_start3A_652 = tpu.memref_slice %arg5[%arg0, %dma_start3A_650, %dma_start3A_651] : memref<2x10000x128xf32, #tpu.memory_space<hbm>> -> memref<1x10000x128xf32, #tpu.memory_space<hbm>>
        %dma_start3A_653 = tpu.memref_squeeze %dma_start3A_652 : memref<1x10000x128xf32, #tpu.memory_space<hbm>> -> memref<10000x128xf32, #tpu.memory_space<hbm>>
        %dma_start3A_654 = arith.constant 9984 : i32
        %dma_start3A_655 = arith.constant 0 : i32
        %dma_start3A_656 = tpu.memref_slice %dma_start3A_653[%dma_start3A_654, %dma_start3A_655] : memref<10000x128xf32, #tpu.memory_space<hbm>> -> memref<16x128xf32, #tpu.memory_space<hbm>>
        %dma_start3A_657 = arith.constant 9984 : i32
        %dma_start3A_658 = arith.constant 0 : i32
        %dma_start3A_659 = tpu.memref_slice %arg12[%dma_start3A_657, %dma_start3A_658] : memref<10000x128xf32, #tpu.memory_space<vmem_shared>> -> memref<16x128xf32, #tpu.memory_space<vmem_shared>>
        tpu.enqueue_dma source(%dma_start3A_659 : memref<16x128xf32, #tpu.memory_space<vmem_shared>>) target(%dma_start3A_656 : memref<16x128xf32, #tpu.memory_space<hbm>>) target_semaphore(%run_scoped3A : memref<!tpu.dma_semaphore, #tpu.memory_space<semaphore_mem>>)
        %dma_wait3A_660 = arith.constant 0 : i32
        %dma_wait3A_661 = arith.constant 0 : i32
        %dma_wait3A_662 = tpu.memref_slice %arg5[%arg0, %dma_wait3A_660, %dma_wait3A_661] : memref<2x10000x128xf32, #tpu.memory_space<hbm>> -> memref<1x10000x128xf32, #tpu.memory_space<hbm>>
        %dma_wait3A_663 = tpu.memref_squeeze %dma_wait3A_662 : memref<1x10000x128xf32, #tpu.memory_space<hbm>> -> memref<10000x128xf32, #tpu.memory_space<hbm>>
        %dma_wait3A_664 = arith.constant 9984 : i32
        %dma_wait3A_665 = arith.constant 0 : i32
        %dma_wait3A_666 = tpu.memref_slice %dma_wait3A_663[%dma_wait3A_664, %dma_wait3A_665] : memref<10000x128xf32, #tpu.memory_space<hbm>> -> memref<16x128xf32, #tpu.memory_space<hbm>>
        %dma_wait3A_667 = arith.constant 9984 : i32
        %dma_wait3A_668 = arith.constant 0 : i32
        %dma_wait3A_669 = tpu.memref_slice %arg12[%dma_wait3A_667, %dma_wait3A_668] : memref<10000x128xf32, #tpu.memory_space<vmem_shared>> -> memref<16x128xf32, #tpu.memory_space<vmem_shared>>
        tpu.wait_dma2 semaphore(%run_scoped3A : memref<!tpu.dma_semaphore, #tpu.memory_space<semaphore_mem>>) src(%dma_wait3A_669 : memref<16x128xf32, #tpu.memory_space<vmem_shared>>) dst(%dma_wait3A_666 : memref<16x128xf32, #tpu.memory_space<hbm>>)
        tpu.yield
      }) : () -> ()
    } else {
    }
    return
  }
}

module attributes {stable_mosaic.version = 14 : i64} {
  func.func @_mm_body(%arg0: i32, %arg1: memref<2x2000x128xf32, #tpu.memory_space<vmem>>, %arg2: memref<128x128xf32, #tpu.memory_space<vmem>>, %arg3: memref<2000x128xf32, #tpu.memory_space<vmem>>) attributes {dimension_semantics = [#tpu.dimension_semantics<arbitrary>], iteration_bounds = array<i64: 5>, scalar_prefetch = 0 : i64, scratch_operands = 0 : i64, tpu.core_type = #tpu.core_type<tc>, window_params = [{transform_indices = @transform_0, window_bounds = array<i64: 2, 2000, 128>}, {pipeline_mode = #tpu.pipeline_mode<synchronous>, transform_indices = @transform_1, window_bounds = array<i64: 128, 128>}, {transform_indices = @transform_2, window_bounds = array<i64: 2000, 128>}]} {
    %get3A = arith.constant 0 : index
    %get3A_0 = arith.constant 0 : index
    %get3A_1 = arith.constant 0 : index
    %get3A_2 = vector.load %arg1[%get3A, %get3A_0, %get3A_1] : memref<2x2000x128xf32, #tpu.memory_space<vmem>>, vector<1x2000x128xf32>
    %get3A_3 = vector.shape_cast %get3A_2 : vector<1x2000x128xf32> to vector<2000x128xf32>
    %get3A_4 = arith.constant 1 : index
    %get3A_5 = arith.constant 0 : index
    %get3A_6 = arith.constant 0 : index
    %get3A_7 = vector.load %arg1[%get3A_4, %get3A_5, %get3A_6] : memref<2x2000x128xf32, #tpu.memory_space<vmem>>, vector<1x2000x128xf32>
    %get3A_8 = vector.shape_cast %get3A_7 : vector<1x2000x128xf32> to vector<2000x128xf32>
    %add3A = arith.addf %get3A_3, %get3A_8 : vector<2000x128xf32>
    %get3A_9 = arith.constant 0 : index
    %get3A_10 = arith.constant 0 : index
    %get3A_11 = vector.load %arg2[%get3A_9, %get3A_10] : memref<128x128xf32, #tpu.memory_space<vmem>>, vector<128x128xf32>
    %dot_general3A = arith.constant dense<0.000000e+00> : vector<2000x128xf32>
    %dot_general3A_12 = tpu.matmul %add3A, %get3A_11, %dot_general3A {dimension_numbers = #tpu.dot_dimension_numbers<[1], [1], [0], [0], [0, 0, 1, 0], [], []>, transpose_lhs_hint = false} : vector<2000x128xf32>, vector<128x128xf32>, vector<2000x128xf32> -> vector<2000x128xf32>
    %swap3A = arith.constant 0 : index
    %swap3A_13 = arith.constant 0 : index
    %swap3A_14 = vector.load %arg3[%swap3A, %swap3A_13] : memref<2000x128xf32, #tpu.memory_space<vmem>>, vector<2000x128xf32>
    tpu.vector_store %arg3[%swap3A, %swap3A_13], %dot_general3A_12 {strides = array<i32>} : memref<2000x128xf32, #tpu.memory_space<vmem>>, vector<2000x128xf32>,
    return
  }
  func.func @transform_0(%arg0: i32) -> (i32, i32, i32) {
    %c0_i32 = arith.constant 0 : i32
    %c0_i32_0 = arith.constant 0 : i32
    %c0_i32_1 = arith.constant 0 : i32
    return %c0_i32, %arg0, %c0_i32_0 : i32, i32, i32
  }
  func.func @transform_1(%arg0: i32) -> (i32, i32) {
    %c0_i32 = arith.constant 0 : i32
    %c0_i32_0 = arith.constant 0 : i32
    %c0_i32_1 = arith.constant 0 : i32
    return %c0_i32, %c0_i32_0 : i32, i32
  }
  func.func @transform_2(%arg0: i32) -> (i32, i32) {
    %c0_i32 = arith.constant 0 : i32
    %c0_i32_0 = arith.constant 0 : i32
    return %arg0, %c0_i32 : i32, i32
  }
}

</mosaic_0001>

<sc_bundles>
// kernel: kernel.4.cloned.1.call-start
scs
__scs_entry_jumppad:
0x0: {  	(pc) =	sbr.rel $0x88, $3  }
0x1: {  	(tag) =	ssettag $0x0;
	lr =	simm.s32 $0x1  }
0x2: {  	[smem:$0x3F9E] =	sst lr;
	_ =	strace $0xD0000000  }
0x3: {  	_ = 	snop  }
0x4: {  	_ = 	snop  }
0x5: {  	_ = 	snop  }
0x6: {  	_ = 	snop  }
0x7: {  	_ = 	snop  }
__scs_overlays_trampoline_lowered:
0x8: {  	[smem:$0x3FAD] =	sst s0  }
0x9: {  	[smem:$0x3FAE] =	sst s1  }
0xa: {  	[smem:$0x3FAF] =	sst s2  }
0xb: {  	[smem:$0x3FB0] =	sst s3  }
0xc: {  	[smem:$0x3FB1] =	sst s4  }
0xd: {  	[smem:$0x3FB2] =	sst s5  }
0xe: {  	[smem:$0x3FB3] =	sst s6  }
0xf: {  	[smem:$0x3FB4] =	sst s7  }
0x10: {  	[smem:$0x3FB5] =	sst s8  }
0x11: {  	[smem:$0x3FB6] =	sst s9;
	s0 =	simm.s32 @!p0 $0x0  }
0x12: {  	s1 =	sld [smem:$0x3F9C];
	s0 =	simm.s32 @p0 $0x1  }
0x13: {  	[smem:$0x3FB7] =	sst s0;
	s0 =	simm.s32 @!p1 $0x0  }
0x14: {  	s2 =	sld [smem:$0x3F9B];
	s0 =	simm.s32 @p1 $0x1  }
0x15: {  	[smem:$0x3FB8] =	sst s0;
	s0 =	simm.s32 @!p2 $0x0  }
0x16: {  	s3 =	sld [smem:$0x3FDB];
	s0 =	simm.s32 @p2 $0x1  }
0x17: {  	s4 =	simm.s32 $0x1BF5;
	[smem:$0x3FBA] =	sst s0  }
0x18: {  	s0 =	sld [smem:$0x3F9D];
	_ =	swait.ge [sflag:s4], $0x0  }
0x19: {  	s7 =	sld [smem:$0x3F9E]  }
0x1a: {  	s8 =	sadd.s32 $0xFFFFE003, lr  }
0x1b: {  	s9 =	sadd.s32 $0xFFFFFEF7, lr;
	s5 =	simm.s32 $0xFFFFFFFF;
	p2 =	slt.u32 s8, $0xFFFFF086  }
0x1c: {  	p1 =	slt.u32 s9, $0xF7A;
	s5 =	simm.s32 @!p2 $0x0  }
0x1d: {  	s5 =	simm.s32 @p1 $0x1;
	p0 =	seq.s32 s7, s2  }
0x1e: {  	s7 =	smul.u32 @!p0 $0xF7A, s2;
	p2 =	seq.s32 @!p0 s5, $0x0  }
0x1f: {  	s9 =	smul.u32 $0xF7A, s1;
	s8 =	simm.s32 @!p0 $0x1BF5;
	p2 =	por !p2, p0  }
0x20: {  	[sflag:s8] =	ssyncset.s32 @!p0 $0xFFFFF086;
	s6 =	sadd.s32 @!p0 s3, s7;
	s7 =	simm.s32 @!p0 $0x108  }
0x21: {  	s3 =	sadd.s32 s3, s9;
	s6 =	sadd.s32 @!p0 $0x88, s6;
	s7 =	simm.s32 @p2 $0x1082  }
0x22: {  	[simem:s7], [sflag:s8] =	dma.local @!p0 [hbm:s6], $0xF7A  }
0x23: {  	s9 =	sor.u32 $0xD0000000, s2;
	s6 =	simm.s32 $0x108;
	_ =	swait.ge @!p0 [sflag:s8], $0x0  }
0x24: {  	s3 =	sadd.s32 $0x88, s3;
	s6 =	simm.s32 @!p1 $0x1082;
	[sflag:s4] =	ssyncset.s32 $0xFFFFF086  }
0x25: {  	[simem:s6], [sflag:s4] =	dma.local [hbm:s3], $0xF7A  }
0x26: {  	[smem:$0x3F9E] =	sst s1;
	(tag) =	ssettag s2;
	_ =	strace s9  }
0x27: {  	s1 =	sld [smem:$0x3FAE]  }
0x28: {  	s2 =	sld [smem:$0x3FAF]  }
0x29: {  	s4 =	sld [smem:$0x3FB1]  }
0x2a: {  	p0 =	seq.s32 s5, $0x0;
	s5 =	sld [smem:$0x3FB2]  }
0x2b: {  	s6 =	sld [smem:$0x3FB3]  }
0x2c: {  	s7 =	sld [smem:$0x3FB4]  }
0x2d: {  	s3 =	simm.s32 $0x108;
	s8 =	sld [smem:$0x3FB5]  }
0x2e: {  	s3 =	simm.s32 @!p0 $0x1082;
	s9 =	sld [smem:$0x3FB6]  }
0x2f: {  	lr =	sadd.s32 s0, s3;
	s0 =	sld [smem:$0x3FAD]  }
0x30: {  	s3 =	sld [smem:$0x3FB0]  }
0x31: {  	[smem:$0x3FB9] =	sst s10  }
0x32: {  	s10 =	sld [smem:$0x3FB7];
	_ =	sdelay $0x3  }
0x33: {  	p0 =	seq.s32 s10, $0x1;
	s10 =	sld [smem:$0x3FB9];
	_ =	sdelay $0x3  }
0x34: {  	[smem:$0x3FB9] =	sst s10  }
0x35: {  	s10 =	sld [smem:$0x3FB8];
	_ =	sdelay $0x3  }
0x36: {  	p1 =	seq.s32 s10, $0x1;
	s10 =	sld [smem:$0x3FB9];
	_ =	sdelay $0x3  }
0x37: {  	[smem:$0x3FB9] =	sst s10  }
0x38: {  	s10 =	sld [smem:$0x3FBA]  }
0x39: {  	_ = 	snop;
	(pc) =	sbr.ind lr, $3  }
0x3a: {  	_ = 	snop  }
0x3b: {  	_ = 	snop  }
0x3c: {  	p2 =	seq.s32 s10, $0x1;
	s10 =	sld [smem:$0x3FB9]  }
0x3d: {  	_ =	shalt  }
0x3e: {  	_ =	shalt  }
0x3f: {  	_ =	shalt  }
0x40: {  	_ =	shalt  }
0x41: {  	_ =	shalt  }
0x42: {  	_ =	shalt  }
0x43: {  	_ =	shalt  }
0x44: {  	_ =	shalt  }
0x45: {  	_ =	shalt  }
0x46: {  	_ =	shalt  }
0x47: {  	_ =	shalt  }
0x48: {  	_ =	shalt  }
0x49: {  	_ =	shalt  }
0x4a: {  	_ =	shalt  }
0x4b: {  	_ =	shalt  }
0x4c: {  	_ =	shalt  }
0x4d: {  	_ =	shalt  }
0x4e: {  	_ =	shalt  }
0x4f: {  	_ =	shalt  }
0x50: {  	_ =	shalt  }
0x51: {  	_ =	shalt  }
0x52: {  	_ =	shalt  }
0x53: {  	_ =	shalt  }
0x54: {  	_ =	shalt  }
0x55: {  	_ =	shalt  }
0x56: {  	_ =	shalt  }
0x57: {  	_ =	shalt  }
0x58: {  	_ =	shalt  }
0x59: {  	_ =	shalt  }
0x5a: {  	_ =	shalt  }
0x5b: {  	_ =	shalt  }
0x5c: {  	_ =	shalt  }
0x5d: {  	_ =	shalt  }
0x5e: {  	_ =	shalt  }
0x5f: {  	_ =	shalt  }
0x60: {  	_ =	shalt  }
0x61: {  	_ =	shalt  }
0x62: {  	_ =	shalt  }
0x63: {  	_ =	shalt  }
0x64: {  	_ =	shalt  }
0x65: {  	_ =	shalt  }
0x66: {  	_ =	shalt  }
0x67: {  	_ =	shalt  }
0x68: {  	_ =	shalt  }
0x69: {  	_ =	shalt  }
0x6a: {  	_ =	shalt  }
0x6b: {  	_ =	shalt  }
0x6c: {  	_ =	shalt  }
0x6d: {  	_ =	shalt  }
0x6e: {  	_ =	shalt  }
0x6f: {  	_ =	shalt  }
0x70: {  	_ =	shalt  }
0x71: {  	_ =	shalt  }
0x72: {  	_ =	shalt  }
0x73: {  	_ =	shalt  }
0x74: {  	_ =	shalt  }
0x75: {  	_ =	shalt  }
0x76: {  	_ =	shalt  }
0x77: {  	_ =	shalt  }
0x78: {  	_ =	shalt  }
0x79: {  	_ =	shalt  }
0x7a: {  	_ =	shalt  }
0x7b: {  	_ =	shalt  }
0x7c: {  	_ =	shalt  }
0x7d: {  	_ =	shalt  }
0x7e: {  	_ =	shalt  }
0x7f: {  	_ =	shalt  }
0x80: {  	_ =	shalt  }
0x81: {  	_ =	shalt  }
0x82: {  	_ =	shalt  }
0x83: {  	_ =	shalt  }
0x84: {  	_ =	shalt  }
0x85: {  	_ =	shalt  }
0x86: {  	_ =	shalt  }
0x87: {  	_ =	shalt  }
.Lfunc_end0:
.L_simem_size_0:
called_computation_lowered:
.L_overlay_start_0:
0x88: {  	s2 =	sld [smem:$0x3FD9]  }
0x89: {  	s3 =	sld [smem:$0x3FFE];
	_ =	sdelay $0x1  }
0x8a: {  	s1 =	srdreg.scid  }
0x8b: {  	s0 =	sand.u32 $0x1, s1  }
0x8c: {  	s17 =	sshll.u32 s0, $0xA;
	s2 =	sadd.s32 s3, s2  }
0x8d: {  	s2 =	sadd.s32 s2, s17  }
0x8e: {  	[smem:$0x3FC5] =	sst s2  }
0x8f: {  	_ = 	snop  }
0x90: {  	s2 =	sld [smem:$0x3FC9]  }
0x91: {  	s18 =	sld [smem:$0x3FD0];
	(tm) =	ssettm $0x1  }
0x92: {  	s4 =	sld [smem:$0x3FFB];
	_ =	sdelay $0x3  }
0x93: {  	_ =	strace s4  }
0x94: {  	s4 =	sld [smem:$0x3FFC];
	_ =	sdelay $0x3  }
0x95: {  	_ =	strace s4  }
0x96: {  	s4 =	sld [smem:$0x3FFD];
	_ =	sdelay $0x3  }
0x97: {  	_ =	strace s4  }
0x98: {  	_ =	strace $0x8FFFFFFF  }
0x99: {  	s19 =	sld [smem:$0x3FDB];
	_ =	sdelay $0x1  }
0x9a: {  	s5 =	simm.s32 $_scs_section_size  }
0x9b: {  	s6 =	simm.s32 $_size__tile_overlayer_lowered;
	s7 =	simm.s32 $_tile_overlayer_lowered  }
0x9c: {  	s22 =	simm.s32 $0x1BFF;
	s21 =	sshll.u32 s7, $0x1;
	s4 =	sadd.s32 s5, s19  }
0x9d: {  	s8 =	simm.s32 $0x0;
	s20 =	sshll.u32 s6, $0x1;
	s6 =	sadd.s32 s21, s4  }
0x9e: {  	[timem:s8], [sflag:s22] =	dma.local [hbm:s6], s20  }
0x9f: {  	_ =	swait.ge [sflag:s22], s20  }
0xa0: {  	s5 =	ssub.s32 $0x0, s20;
	[sflag:s22] =	ssyncset.done $0x0  }
0xa1: {  	[sflag:s22] =	ssyncadd.s32 s5;
	_ =	sdelay $0x1  }
0xa2: {  	s23 =	simm.s32 $0x1B8B  }
0xa3: {  	_ =	swait.ge [sflag:s23], $0x1  }
0xa4: {  	[sflag:s23] =	ssyncset.done $0x0  }
0xa5: {  	s25 =	simm.s32 $0x1B8E;
	s24 =	sld [smem:$0x3FFE];
	[sflag:s23] =	ssyncadd.s32 $0xFFFFFFFF  }
0xa6: {  	s26 =	simm.s32 $execute0_lowered;
	[smem:$0x3FD2] =	sst s25  }
0xa7: {  	s6 =	sshll.u32 s26, $0x1;
	_ =	strace $0x80000046;
	[dreg:$0x1] =	wrdreg $0xFFFFFFFF  }
0xa8: {  	s28 =	simm.s32 $_size_execute0_lowered;
	s4 =	sadd.s32 s4, s6;
	[dreg:$0x0] =	wrdreg $0x0  }
0xa9: {  	s6 =	sshll.u32 s28, $0x1;
	[dreg:$0x2] =	wrdreg s4  }
0xaa: {  	[dreg:$0x3] =	wrdreg s6  }
0xab: {  	[dreg:$0x4] =	wrdreg $0xC0  }
0xac: {  	_ =	task [dreg:s8], $0x5FFFF  }
0xad: {  	[dreg:$0x1] =	wrdreg $0xFFFFFFFF  }
0xae: {  	[dreg:$0x0] =	wrdreg $0x60  }
0xaf: {  	[dreg:$0x2] =	wrdreg s18  }
0xb0: {  	[dreg:$0x3] =	wrdreg s24  }
0xb1: {  	[dreg:$0x4] =	wrdreg s2  }
0xb2: {  	[dreg:$0x5] =	wrdreg $0xC4000  }
0xb3: {  	[dreg:$0x6] =	wrdreg $0x9  }
0xb4: {  	_ =	task.clear_ibuf [dreg:s8], $0x7FFFF;
	_ =	strace $0x90000046  }
0xb5: {  	s29 =	simm.s32 $0x9;
	_ =	strace $0x80000048  }
0xb6: {  	_ =	swait.ge [sflag:s29], $0x1  }
0xb7: {  	[sflag:s29] =	ssyncadd.s32 $0xFFFFFFFF  }
0xb8: {  	_ =	strace $0x90000048  }
0xb9: {  	_ =	sfence  }
0xba: {  	s30 =	sld [smem:$0x0];
	_ =	sdelay $0x2  }
0xbb: {  	s31 =	sshll.u32 s1, $0xD;
	s1 =	sshrl.u32 s1, $0x2  }
0xbc: {  	s3 =	sand.u32 $0x4000, s31;
	s1 =	sadd.s32 s1, s30  }
0xbd: {  	s0 =	sor.u32 s3, s0;
	s1 =	sshll.u32 s1, $0x11  }
0xbe: {  	s0 =	sor.u32 s1, s0  }
0xbf: {  	s0 =	sadd.s32 $0x8F2B, s0  }
0xc0: {  	[sflag:s0] =	ssyncadd.remote.s32 $0x1  }
0xc1: {  	_ =	sfence.sel $0xFFFF  }
0xc2: {  	[dreg:$0x0] =	wrdreg $0xFFFFFFFF;
	(pc) =	sbr.abs _section_cstart, $3  }
0xc3: {  	[dreg:$0x1] =	wrdreg $0xFFFFFFFF  }
0xc4: {  	_ =	task.clear_ibuf [dreg:s8], $0x2FFFF;
	_ =	strace $0x9FFFFFFF  }
0xc5: {  	(tm) =	ssettm $0x7FFFFFFF  }
tec
execute0_lowered:
.L_overlay_start_1:
0x0: {  	(tag) =	ssettag $0x1  }
0x1: {  	s0 =	rddreg [dreg:$0x0]  }
0x2: {  	s1 =	rddreg [dreg:$0x1]  }
0x3: {  	s2 =	rddreg [dreg:$0x2]  }
0x4: {  	s3 =	rddreg [dreg:$0x3];
	s4 =	srdreg.scid  }
0x5: {  	s9 =	stileid.u32;
	s6 =	simm.s32 $0x0;
	s4 =	sand.u32 $0x1, s4  }
0x6: {  	s5 =	smul.u32 $0x4E000, s9;
	[smem:$0x7FF] =	sst s6;
	s18 =	sshll.u32 s9, $0xB  }
0x7: {  	s29 =	smul.u32 $0x27100, s4;
	s7 =	ssub.s32 $0x2, s4;
	s4 =	sshll.u32 s4, $0xF  }
0x8: {  	_ =	strace $0x80000047;
	s8 =	sshrl.u32 s7, $0x1;
	s4 =	sor.u32 s18, s4  }
0x9: {  	s5 =	sshrl.u32 s5, $0x2;
	s7 =	ssub.s32 s7, s8;
	s8 =	sadd.s32 s0, s4  }
0xa: {  	s5 =	sadd.s32 s5, s3;
	s20 =	sadd.s32 s1, s4;
	[dreg:$0x11] =	wrdreg s8  }
0xb: {  	s30 =	sadd.s32 $0xC00, s5;
	[dreg:$0x12] =	wrdreg s20  }
0xc: {  	s31 =	sadd.s32 $0x1800, s5;
	[dreg:$0x5] =	wrdreg s30  }
0xd: {  	s10 =	sadd.s32 $0x2400, s5;
	[dreg:$0x6] =	wrdreg s31  }
0xe: {  	s11 =	sadd.s32 $0x3000, s5;
	[dreg:$0x7] =	wrdreg s10  }
0xf: {  	s28 =	simm.s32 $0x0;
	s12 =	sadd.s32 $0x3C00, s5;
	[dreg:$0x8] =	wrdreg s11  }
0x10: {  	s22 =	smul.u32 $0x2700, s9;
	s13 =	sadd.s32 $0x4800, s5;
	[dreg:$0x9] =	wrdreg s12  }
0x11: {  	p0 =	sne.s32 s9, $0xF;
	s14 =	sadd.s32 $0x5400, s5;
	[dreg:$0xa] =	wrdreg s13  }
0x12: {  	s18 =	simm.s32 $0x80;
	s15 =	sadd.s32 $0x6000, s5;
	[dreg:$0xb] =	wrdreg s14  }
0x13: {  	s6 =	sadd.s32 s29, s1;
	s16 =	sadd.s32 $0x6C00, s5;
	[dreg:$0xc] =	wrdreg s15  }
0x14: {  	s4 =	sor.u32 $0x400, s4;
	s17 =	sadd.s32 $0x7800, s5;
	[dreg:$0xd] =	wrdreg s16  }
0x15: {  	s19 =	sadd.s32 $0x9000, s5;
	s0 =	sadd.s32 s0, s4;
	[dreg:$0xe] =	wrdreg s17  }
0x16: {  	s21 =	sadd.s32 s1, s4;
	s23 =	sadd.s32 $0x9C00, s5;
	[dreg:$0x10] =	wrdreg s19  }
0x17: {  	s24 =	smax.u32 s7, $0x1;
	s25 =	sadd.s32 $0xA800, s5;
	[dreg:$0x13] =	wrdreg s0  }
0x18: {  	s26 =	sadd.s32 $0xB400, s5;
	s29 =	sadd.s32 $0xC000, s5;
	[dreg:$0x14] =	wrdreg s21  }
0x19: {  	s1 =	sadd.s32 $0xF000, s5;
	s4 =	sadd.s32 $0xFC00, s5;
	[dreg:$0x15] =	wrdreg s23  }
0x1a: {  	s7 =	sadd.s32 $0x11400, s5;
	s8 =	sadd.s32 $0x12000, s5;
	[dreg:$0x16] =	wrdreg s24  }
0x1b: {  	s9 =	sadd.s32 $0x12C00, s5;
	s20 =	simm.s32 $0x100;
	[dreg:$0x18] =	wrdreg s25  }
0x1c: {  	s10 =	sadd.s32 $0x8400, s5;
	s23 =	sadd.s32 $0x10000, s6;
	[dreg:$0x19] =	wrdreg s26  }
0x1d: {  	[dreg:$0x1a] =	wrdreg s29;
	s30 =	sadd.s32 $0xCC00, s5;
	s31 =	sadd.s32 $0xD800, s5  }
0x1e: {  	s6 =	sadd.s32 $0x10800, s5;
	s11 =	simm.s32 $0xB800;
	s12 =	simm.s32 $0x2000  }
0x1f: {  	s13 =	simm.s32 $0x1;
	s14 =	simm.s32 $0x2;
	s15 =	simm.s32 $0x3  }
0x20: {  	s16 =	simm.s32 $0x50;
	s17 =	simm.s32 $0x4000;
	s19 =	simm.s32 $0x6800  }
0x21: {  	s21 =	simm.s32 $0x9000;
	s24 =	simm.s32 $0x5;
	[dreg:$0xf] =	wrdreg s10  }
0x22: {  	s25 =	simm.s32 $0x6;
	s26 =	simm.s32 $0x7;
	[dreg:$0x1b] =	wrdreg s30  }
0x23: {  	s0 =	sadd.s32 s22, s23;
	[dreg:$0x1c] =	wrdreg s31;
	s10 =	sadd.s32 $0x138000, s3  }
0x24: {  	v0 =	vimm.f32 $0.0e+00;
	s22 =	simm.s32 $0x4;
	[dreg:$0x17] =	wrdreg s0;
	s0 =	sadd.s32 $0xE400, s5  }
.LBB2_1:
0x25: {  	s29 =	simm.s32 $0x0;
	s30 =	simm.s32 $0x200  }
.LBB2_2:
0x26: {  	p1 =	sne.s32 s30, $0x2E00;
	[tilespmem:s29+$0xB870] =	vst v0  }
0x27: {  	[tilespmem:s29+$0xB800] =	vst v0  }
0x28: {  	[tilespmem:s29+$0xB810] =	vst v0  }
.Ltmp0:
0x29: {  	[tilespmem:s29+$0xB820] =	vst v0;
	(pc) =	sbr.rel @p1 .LBB2_2-.Ltmp0, $4  }
0x2a: {  	[tilespmem:s29+$0xB830] =	vst v0  }
0x2b: {  	[tilespmem:s29+$0xB840] =	vst v0  }
0x2c: {  	[tilespmem:s29+$0xB850] =	vst v0  }
0x2d: {  	[tilespmem:s29+$0xB860] =	vst v0;
	s29 =	sshra.s32 s30, $0x2;
	s30 =	sadd.s32 $0x200, s30  }
0x2e: {  	[tilespmem:s29+$0xB870] =	vst v0  }
0x2f: {  	[tilespmem:s29+$0xB800] =	vst v0  }
0x30: {  	[tilespmem:s29+$0xB810] =	vst v0  }
0x31: {  	[tilespmem:s29+$0xB820] =	vst v0  }
0x32: {  	[tilespmem:s29+$0xB830] =	vst v0  }
0x33: {  	[tilespmem:s29+$0xB840] =	vst v0  }
0x34: {  	[tilespmem:s29+$0xB850] =	vst v0  }
0x35: {  	[tilespmem:s29+$0xB860] =	vst v0  }
0x36: {  	[spmem:s5] =	stream.linear.scatter [tilespmem:s11], [sflag:$0x1], $0xC00, $0x38;
	[tilespmem:$0x1FC80] =	vst v63  }
0x37: {  	s29 =	rddreg [dreg:$0x5]  }
0x38: {  	[spmem:s29] =	stream.linear.scatter [tilespmem:s11], [sflag:$0x1], $0xC00, $0x38;
	[tilespmem:$0x1FC80] =	vst v63  }
0x39: {  	s29 =	rddreg [dreg:$0x6]  }
0x3a: {  	[spmem:s29] =	stream.linear.scatter [tilespmem:s11], [sflag:$0x1], $0xC00, $0x38;
	[tilespmem:$0x1FC80] =	vst v63  }
0x3b: {  	s29 =	rddreg [dreg:$0x7]  }
0x3c: {  	[spmem:s29] =	stream.linear.scatter [tilespmem:s11], [sflag:$0x1], $0xC00, $0x38;
	[tilespmem:$0x1FC80] =	vst v63  }
0x3d: {  	s29 =	rddreg [dreg:$0x8]  }
0x3e: {  	[spmem:s29] =	stream.linear.scatter [tilespmem:s11], [sflag:$0x1], $0xC00, $0x38;
	[tilespmem:$0x1FC80] =	vst v63  }
0x3f: {  	s29 =	rddreg [dreg:$0x9]  }
0x40: {  	[spmem:s29] =	stream.linear.scatter [tilespmem:s11], [sflag:$0x1], $0xC00, $0x38;
	[tilespmem:$0x1FC80] =	vst v63  }
0x41: {  	s29 =	rddreg [dreg:$0xa]  }
0x42: {  	[spmem:s29] =	stream.linear.scatter [tilespmem:s11], [sflag:$0x1], $0xC00, $0x38;
	[tilespmem:$0x1FC80] =	vst v63  }
0x43: {  	s29 =	rddreg [dreg:$0xb]  }
0x44: {  	[spmem:s29] =	stream.linear.scatter [tilespmem:s11], [sflag:$0x1], $0xC00, $0x38;
	[tilespmem:$0x1FC80] =	vst v63  }
0x45: {  	s29 =	rddreg [dreg:$0xc]  }
0x46: {  	[spmem:s29] =	stream.linear.scatter [tilespmem:s11], [sflag:$0x1], $0xC00, $0x38;
	[tilespmem:$0x1FC80] =	vst v63  }
0x47: {  	s29 =	rddreg [dreg:$0xd]  }
0x48: {  	[spmem:s29] =	stream.linear.scatter [tilespmem:s11], [sflag:$0x1], $0xC00, $0x38;
	[tilespmem:$0x1FC80] =	vst v63  }
0x49: {  	s29 =	rddreg [dreg:$0xe]  }
0x4a: {  	[spmem:s29] =	stream.linear.scatter [tilespmem:s11], [sflag:$0x1], $0xC00, $0x38;
	[tilespmem:$0x1FC80] =	vst v63  }
0x4b: {  	s29 =	rddreg [dreg:$0xf]  }
0x4c: {  	[spmem:s29] =	stream.linear.scatter [tilespmem:s11], [sflag:$0x1], $0xC00, $0x38;
	[tilespmem:$0x1FC80] =	vst v63  }
0x4d: {  	s29 =	rddreg [dreg:$0x10]  }
0x4e: {  	[spmem:s29] =	stream.linear.scatter [tilespmem:s11], [sflag:$0x1], $0xC00, $0x38;
	[tilespmem:$0x1FC80] =	vst v63  }
0x4f: {  	s29 =	rddreg [dreg:$0x15]  }
0x50: {  	[spmem:s29] =	stream.linear.scatter [tilespmem:s11], [sflag:$0x1], $0xC00, $0x38;
	[tilespmem:$0x1FC80] =	vst v63  }
0x51: {  	s29 =	rddreg [dreg:$0x18]  }
0x52: {  	[spmem:s29] =	stream.linear.scatter [tilespmem:s11], [sflag:$0x1], $0xC00, $0x38;
	[tilespmem:$0x1FC80] =	vst v63  }
0x53: {  	s29 =	rddreg [dreg:$0x19]  }
0x54: {  	[spmem:s29] =	stream.linear.scatter [tilespmem:s11], [sflag:$0x1], $0xC00, $0x38;
	[tilespmem:$0x1FC80] =	vst v63  }
0x55: {  	s29 =	rddreg [dreg:$0x1a]  }
0x56: {  	[spmem:s29] =	stream.linear.scatter [tilespmem:s11], [sflag:$0x1], $0xC00, $0x38;
	[tilespmem:$0x1FC80] =	vst v63  }
0x57: {  	s29 =	rddreg [dreg:$0x1b]  }
0x58: {  	[spmem:s29] =	stream.linear.scatter [tilespmem:s11], [sflag:$0x1], $0xC00, $0x38;
	[tilespmem:$0x1FC80] =	vst v63  }
0x59: {  	s29 =	rddreg [dreg:$0x1c]  }
0x5a: {  	[spmem:s29] =	stream.linear.scatter [tilespmem:s11], [sflag:$0x1], $0xC00, $0x38;
	[tilespmem:$0x1FC80] =	vst v63  }
0x5b: {  	_ = 	snop  }
0x5c: {  	[spmem:s0] =	stream.linear.scatter [tilespmem:s11], [sflag:$0x1], $0xC00, $0x38;
	[tilespmem:$0x1FC80] =	vst v63  }
0x5d: {  	_ = 	snop  }
0x5e: {  	[spmem:s1] =	stream.linear.scatter [tilespmem:s11], [sflag:$0x1], $0xC00, $0x38;
	[tilespmem:$0x1FC80] =	vst v63  }
0x5f: {  	_ = 	snop  }
0x60: {  	[spmem:s4] =	stream.linear.scatter [tilespmem:s11], [sflag:$0x1], $0xC00, $0x38;
	[tilespmem:$0x1FC80] =	vst v63  }
0x61: {  	_ = 	snop  }
0x62: {  	[spmem:s6] =	stream.linear.scatter [tilespmem:s11], [sflag:$0x1], $0xC00, $0x38;
	[tilespmem:$0x1FC80] =	vst v63  }
0x63: {  	_ = 	snop  }
0x64: {  	[spmem:s7] =	stream.linear.scatter [tilespmem:s11], [sflag:$0x1], $0xC00, $0x38;
	[tilespmem:$0x1FC80] =	vst v63  }
0x65: {  	_ = 	snop  }
0x66: {  	[spmem:s8] =	stream.linear.scatter [tilespmem:s11], [sflag:$0x1], $0xC00, $0x38;
	[tilespmem:$0x1FC80] =	vst v63  }
0x67: {  	_ = 	snop  }
0x68: {  	[spmem:s9] =	stream.linear.scatter [tilespmem:s11], [sflag:$0x1], $0xC00, $0x38;
	[tilespmem:$0x1FC80] =	vst v63  }
0x69: {  	s29 =	simm.s32 @!p0 $0xB800  }
0x6a: {  	[spmem:s10] =	stream.linear.scatter @!p0 [tilespmem:s29], [sflag:$0x1], $0x800, $0x38;
	[tilespmem:$0x1FC80] =	vst v63  }
0x6b: {  	s30 =	rddreg [dreg:$0x11];
	s29 =	simm.s32 $0x0  }
0x6c: {  	[tilespmem:s29], [sflag:$0x2] =	stream.linear.gather [hbm4b:s30+s29], $0x2000, $0x38;
	[tilespmem:$0x1FC80] =	vst v63  }
0x6d: {  	s30 =	rddreg [dreg:$0x12]  }
0x6e: {  	[tilespmem:s12], [sflag:$0x3] =	stream.linear.gather [hbm4b:s30+s29], $0x2000, $0x38;
	[tilespmem:$0x1FC80] =	vst v63  }
0x6f: {  	_ =	swait.ge [sflag:s13], $0xC00  }
0x70: {  	[sflag:s13] =	ssyncset.done $0x0  }
0x71: {  	[sflag:s13] =	ssyncadd.s32 $0xFFFFF400  }
0x72: {  	_ =	swait.ge [sflag:s13], $0xC00  }
0x73: {  	[sflag:s13] =	ssyncset.done $0x0  }
0x74: {  	[sflag:s13] =	ssyncadd.s32 $0xFFFFF400  }
0x75: {  	_ =	swait.ge [sflag:s13], $0xC00  }
0x76: {  	[sflag:s13] =	ssyncset.done $0x0  }
0x77: {  	[sflag:s13] =	ssyncadd.s32 $0xFFFFF400  }
0x78: {  	_ =	swait.ge [sflag:s13], $0xC00  }
0x79: {  	[sflag:s13] =	ssyncset.done $0x0  }
0x7a: {  	[sflag:s13] =	ssyncadd.s32 $0xFFFFF400  }
0x7b: {  	_ =	swait.ge [sflag:s13], $0xC00  }
0x7c: {  	[sflag:s13] =	ssyncset.done $0x0  }
0x7d: {  	[sflag:s13] =	ssyncadd.s32 $0xFFFFF400  }
0x7e: {  	_ =	swait.ge [sflag:s13], $0xC00  }
0x7f: {  	[sflag:s13] =	ssyncset.done $0x0  }
0x80: {  	[sflag:s13] =	ssyncadd.s32 $0xFFFFF400  }
0x81: {  	_ =	swait.ge [sflag:s13], $0xC00  }
0x82: {  	[sflag:s13] =	ssyncset.done $0x0  }
0x83: {  	[sflag:s13] =	ssyncadd.s32 $0xFFFFF400  }
0x84: {  	_ =	swait.ge [sflag:s13], $0xC00  }
0x85: {  	[sflag:s13] =	ssyncset.done $0x0  }
0x86: {  	[sflag:s13] =	ssyncadd.s32 $0xFFFFF400  }
0x87: {  	_ =	swait.ge [sflag:s13], $0xC00  }
0x88: {  	[sflag:s13] =	ssyncset.done $0x0  }
0x89: {  	[sflag:s13] =	ssyncadd.s32 $0xFFFFF400  }
0x8a: {  	_ =	swait.ge [sflag:s13], $0xC00  }
0x8b: {  	[sflag:s13] =	ssyncset.done $0x0  }
0x8c: {  	[sflag:s13] =	ssyncadd.s32 $0xFFFFF400  }
0x8d: {  	_ =	swait.ge [sflag:s13], $0xC00  }
0x8e: {  	[sflag:s13] =	ssyncset.done $0x0  }
0x8f: {  	[sflag:s13] =	ssyncadd.s32 $0xFFFFF400  }
0x90: {  	_ =	swait.ge [sflag:s13], $0xC00  }
0x91: {  	[sflag:s13] =	ssyncset.done $0x0  }
0x92: {  	[sflag:s13] =	ssyncadd.s32 $0xFFFFF400  }
0x93: {  	_ =	swait.ge [sflag:s13], $0xC00  }
0x94: {  	[sflag:s13] =	ssyncset.done $0x0  }
0x95: {  	[sflag:s13] =	ssyncadd.s32 $0xFFFFF400  }
0x96: {  	_ =	swait.ge [sflag:s13], $0xC00  }
0x97: {  	[sflag:s13] =	ssyncset.done $0x0  }
0x98: {  	[sflag:s13] =	ssyncadd.s32 $0xFFFFF400  }
0x99: {  	_ =	swait.ge [sflag:s13], $0xC00  }
0x9a: {  	[sflag:s13] =	ssyncset.done $0x0  }
0x9b: {  	[sflag:s13] =	ssyncadd.s32 $0xFFFFF400  }
0x9c: {  	_ =	swait.ge [sflag:s13], $0xC00  }
0x9d: {  	[sflag:s13] =	ssyncset.done $0x0  }
0x9e: {  	[sflag:s13] =	ssyncadd.s32 $0xFFFFF400  }
0x9f: {  	_ =	swait.ge [sflag:s13], $0xC00  }
0xa0: {  	[sflag:s13] =	ssyncset.done $0x0  }
0xa1: {  	[sflag:s13] =	ssyncadd.s32 $0xFFFFF400  }
0xa2: {  	_ =	swait.ge [sflag:s13], $0xC00  }
0xa3: {  	[sflag:s13] =	ssyncset.done $0x0  }
0xa4: {  	[sflag:s13] =	ssyncadd.s32 $0xFFFFF400  }
0xa5: {  	_ =	swait.ge [sflag:s13], $0xC00  }
0xa6: {  	[sflag:s13] =	ssyncset.done $0x0  }
0xa7: {  	[sflag:s13] =	ssyncadd.s32 $0xFFFFF400  }
0xa8: {  	_ =	swait.ge [sflag:s13], $0xC00  }
0xa9: {  	[sflag:s13] =	ssyncset.done $0x0  }
0xaa: {  	[sflag:s13] =	ssyncadd.s32 $0xFFFFF400  }
0xab: {  	_ =	swait.ge [sflag:s13], $0xC00  }
0xac: {  	[sflag:s13] =	ssyncset.done $0x0  }
0xad: {  	[sflag:s13] =	ssyncadd.s32 $0xFFFFF400  }
0xae: {  	_ =	swait.ge [sflag:s13], $0xC00  }
0xaf: {  	[sflag:s13] =	ssyncset.done $0x0  }
0xb0: {  	[sflag:s13] =	ssyncadd.s32 $0xFFFFF400  }
0xb1: {  	_ =	swait.ge [sflag:s13], $0xC00  }
0xb2: {  	[sflag:s13] =	ssyncset.done $0x0  }
0xb3: {  	[sflag:s13] =	ssyncadd.s32 $0xFFFFF400  }
0xb4: {  	_ =	swait.ge [sflag:s13], $0xC00  }
0xb5: {  	[sflag:s13] =	ssyncset.done $0x0  }
0xb6: {  	[sflag:s13] =	ssyncadd.s32 $0xFFFFF400  }
0xb7: {  	_ =	swait.ge [sflag:s13], $0xC00  }
0xb8: {  	[sflag:s13] =	ssyncset.done $0x0  }
0xb9: {  	[sflag:s13] =	ssyncadd.s32 $0xFFFFF400  }
0xba: {  	_ =	swait.ge [sflag:s13], $0xC00  }
0xbb: {  	[sflag:s13] =	ssyncset.done $0x0  }
0xbc: {  	s29 =	simm.s32 @!p0 $0x1;
	[sflag:s13] =	ssyncadd.s32 $0xFFFFF400  }
0xbd: {  	_ =	swait.ge @!p0 [sflag:s29], $0x800  }
0xbe: {  	[sflag:s29] =	ssyncset.done @!p0 $0x0  }
0xbf: {  	[sflag:s29] =	ssyncadd.s32 @!p0 $0xFFFFF800  }
0xc0: {  	_ =	swait.ge [sflag:s14], $0x2000  }
0xc1: {  	[sflag:s14] =	ssyncset.done $0x0  }
0xc2: {  	[sflag:s14] =	ssyncadd.s32 $0xFFFFE000  }
0xc3: {  	_ =	swait.ge [sflag:s15], $0x2000  }
0xc4: {  	[sflag:s15] =	ssyncset.done $0x0  }
0xc5: {  	[sflag:s15] =	ssyncadd.s32 $0xFFFFE000  }
0xc6: {  	s29 =	simm.s32 $0x0;
	[bflag:$0x0] =	sbarrier.arrive $0xFFFF  }
0xc7: {  	[tilespmem:s17], [sflag:$0x1] =	stream.indirect.gather [hbm4b:s2+s16], $0x80, s29, s16, $0xb8;
	[tilespmem:$0x1FC80] =	vst v63  }
0xc8: {  	_ = 	snop  }
0xc9: {  	[tilespmem:s19], [sflag:$0x2] =	stream.indirect.gather [hbm4b:s2+s16], $0x80, s18, s16, $0xb8;
	[tilespmem:$0x1FC80] =	vst v63  }
0xca: {  	_ =	swait.ge [sflag:s13], $0x2800  }
0xcb: {  	[sflag:s13] =	ssyncset.done $0x0  }
0xcc: {  	[sflag:s13] =	ssyncadd.s32 $0xFFFFD800  }
0xcd: {  	[spmem:s3] =	stream.indirect.scatter.add.f32 [tilespmem:s17], [sflag:$0x4], $0x80, s12, s16, $0xb8;
	[tilespmem:$0x1FC80] =	vst v63  }
0xce: {  	_ = 	snop  }
0xcf: {  	[tilespmem:s21], [sflag:$0x3] =	stream.indirect.gather [hbm4b:s2+s16], $0x80, s20, s16, $0xb8;
	[tilespmem:$0x1FC80] =	vst v63  }
0xd0: {  	_ =	swait.ge [sflag:s14], $0x2800  }
0xd1: {  	[sflag:s14] =	ssyncset.done $0x0  }
0xd2: {  	s29 =	simm.s32 $0x2080;
	[sflag:s14] =	ssyncadd.s32 $0xFFFFD800  }
0xd3: {  	[spmem:s3] =	stream.indirect.scatter.add.f32 [tilespmem:s19], [sflag:$0x5], $0x80, s29, s16, $0xb8;
	[tilespmem:$0x1FC80] =	vst v63  }
0xd4: {  	_ =	swait.ge [sflag:s22], $0x2800  }
0xd5: {  	[sflag:s22] =	ssyncset.done $0x0  }
0xd6: {  	s29 =	simm.s32 $0x180;
	[sflag:s22] =	ssyncadd.s32 $0xFFFFD800  }
0xd7: {  	[tilespmem:s17], [sflag:$0x1] =	stream.indirect.gather [hbm4b:s2+s16], $0x80, s29, s16, $0xb8;
	[tilespmem:$0x1FC80] =	vst v63  }
0xd8: {  	_ =	swait.ge [sflag:s15], $0x2800  }
0xd9: {  	[sflag:s15] =	ssyncset.done $0x0  }
0xda: {  	s29 =	simm.s32 $0x2100;
	[sflag:s15] =	ssyncadd.s32 $0xFFFFD800  }
0xdb: {  	[spmem:s3] =	stream.indirect.scatter.add.f32 [tilespmem:s21], [sflag:$0x6], $0x80, s29, s16, $0xb8;
	[tilespmem:$0x1FC80] =	vst v63  }
0xdc: {  	_ =	swait.ge [sflag:s24], $0x2800  }
0xdd: {  	[sflag:s24] =	ssyncset.done $0x0  }
0xde: {  	s29 =	simm.s32 $0x200;
	[sflag:s24] =	ssyncadd.s32 $0xFFFFD800  }
0xdf: {  	[tilespmem:s19], [sflag:$0x2] =	stream.indirect.gather [hbm4b:s2+s16], $0x80, s29, s16, $0xb8;
	[tilespmem:$0x1FC80] =	vst v63  }
0xe0: {  	_ =	swait.ge [sflag:s13], $0x2800  }
0xe1: {  	[sflag:s13] =	ssyncset.done $0x0  }
0xe2: {  	s29 =	simm.s32 $0x2180;
	[sflag:s13] =	ssyncadd.s32 $0xFFFFD800  }
0xe3: {  	[spmem:s3] =	stream.indirect.scatter.add.f32 [tilespmem:s17], [sflag:$0x4], $0x80, s29, s16, $0xb8;
	[tilespmem:$0x1FC80] =	vst v63  }
0xe4: {  	_ =	swait.ge [sflag:s25], $0x2800  }
0xe5: {  	[sflag:s25] =	ssyncset.done $0x0  }
0xe6: {  	s30 =	simm.s32 $0x280;
	s29 =	simm.s32 $0x600;
	[sflag:s25] =	ssyncadd.s32 $0xFFFFD800  }
.LBB2_4:
0xe7: {  	[tilespmem:s21], [sflag:$0x3] =	stream.indirect.gather [hbm4b:s2+s16], $0x80, s30, s16, $0xb8;
	[tilespmem:$0x1FC80] =	vst v63  }
0xe8: {  	s30 =	smov.u32 s29  }
0xe9: {  	p1 =	sne.s32 s29, $0x7200;
	s29 =	sadd.s32 $0x600, s29;
	_ =	swait.ge [sflag:s14], $0x2800  }
0xea: {  	s30 =	sshra.s32 s30, $0x2;
	[sflag:s14] =	ssyncset.done $0x0  }
0xeb: {  	s31 =	sadd.s32 $0x2080, s30;
	[sflag:s14] =	ssyncadd.s32 $0xFFFFD800  }
0xec: {  	[spmem:s3] =	stream.indirect.scatter.add.f32 [tilespmem:s19], [sflag:$0x5], $0x80, s31, s16, $0xb8;
	[tilespmem:$0x1FC80] =	vst v63  }
0xed: {  	_ =	swait.ge [sflag:s22], $0x2800  }
0xee: {  	[sflag:s22] =	ssyncset.done $0x0  }
0xef: {  	s31 =	sadd.s32 $0x180, s30;
	[sflag:s22] =	ssyncadd.s32 $0xFFFFD800  }
0xf0: {  	[tilespmem:s17], [sflag:$0x1] =	stream.indirect.gather [hbm4b:s2+s16], $0x80, s31, s16, $0xb8;
	[tilespmem:$0x1FC80] =	vst v63  }
0xf1: {  	_ =	swait.ge [sflag:s15], $0x2800  }
0xf2: {  	[sflag:s15] =	ssyncset.done $0x0  }
0xf3: {  	s31 =	sadd.s32 $0x2100, s30;
	[sflag:s15] =	ssyncadd.s32 $0xFFFFD800  }
0xf4: {  	[spmem:s3] =	stream.indirect.scatter.add.f32 [tilespmem:s21], [sflag:$0x6], $0x80, s31, s16, $0xb8;
	[tilespmem:$0x1FC80] =	vst v63  }
0xf5: {  	_ =	swait.ge [sflag:s24], $0x2800  }
0xf6: {  	[sflag:s24] =	ssyncset.done $0x0  }
0xf7: {  	s31 =	sadd.s32 $0x200, s30;
	[sflag:s24] =	ssyncadd.s32 $0xFFFFD800  }
0xf8: {  	[tilespmem:s19], [sflag:$0x2] =	stream.indirect.gather [hbm4b:s2+s16], $0x80, s31, s16, $0xb8;
	[tilespmem:$0x1FC80] =	vst v63  }
0xf9: {  	_ =	swait.ge [sflag:s13], $0x2800  }
0xfa: {  	[sflag:s13] =	ssyncset.done $0x0  }
.Ltmp1:
0xfb: {  	s31 =	sadd.s32 $0x2180, s30;
	[sflag:s13] =	ssyncadd.s32 $0xFFFFD800;
	(pc) =	sbr.rel @p1 .LBB2_4-.Ltmp1, $4  }
0xfc: {  	[spmem:s3] =	stream.indirect.scatter.add.f32 [tilespmem:s17], [sflag:$0x4], $0x80, s31, s16, $0xb8;
	[tilespmem:$0x1FC80] =	vst v63  }
0xfd: {  	_ =	swait.ge [sflag:s25], $0x2800  }
0xfe: {  	[sflag:s25] =	ssyncset.done $0x0  }
0xff: {  	s30 =	sadd.s32 $0x280, s30;
	[sflag:s25] =	ssyncadd.s32 $0xFFFFD800  }
0x100: {  	[tilespmem:s21], [sflag:$0x3] =	stream.indirect.gather [hbm4b:s2+s16], $0x80, s30, s16, $0xb8;
	[tilespmem:$0x1FC80] =	vst v63  }
0x101: {  	_ =	swait.ge [sflag:s14], $0x2800  }
0x102: {  	[sflag:s14] =	ssyncset.done $0x0  }
0x103: {  	s29 =	simm.s32 $0x3E80;
	[sflag:s14] =	ssyncadd.s32 $0xFFFFD800  }
0x104: {  	[spmem:s3] =	stream.indirect.scatter.add.f32 [tilespmem:s19], [sflag:$0x5], $0x80, s29, s16, $0xb8;
	[tilespmem:$0x1FC80] =	vst v63  }
0x105: {  	_ =	swait.ge [sflag:s22], $0x2800  }
0x106: {  	[sflag:s22] =	ssyncset.done $0x0  }
0x107: {  	s29 =	simm.s32 $0x1F80;
	[sflag:s22] =	ssyncadd.s32 $0xFFFFD800  }
0x108: {  	[tilespmem:s17], [sflag:$0x1] =	stream.indirect.gather [hbm4b:s2+s16], $0x80, s29, s16, $0xb8;
	[tilespmem:$0x1FC80] =	vst v63  }
0x109: {  	_ =	swait.ge [sflag:s15], $0x2800  }
0x10a: {  	[sflag:s15] =	ssyncset.done $0x0  }
0x10b: {  	s29 =	simm.s32 $0x3F00;
	[sflag:s15] =	ssyncadd.s32 $0xFFFFD800  }
0x10c: {  	[spmem:s3] =	stream.indirect.scatter.add.f32 [tilespmem:s21], [sflag:$0x6], $0x80, s29, s16, $0xb8;
	[tilespmem:$0x1FC80] =	vst v63  }
0x10d: {  	_ =	swait.ge [sflag:s24], $0x2800  }
0x10e: {  	[sflag:s24] =	ssyncset.done $0x0  }
0x10f: {  	[sflag:s24] =	ssyncadd.s32 $0xFFFFD800  }
0x110: {  	_ =	swait.ge [sflag:s13], $0x2800  }
0x111: {  	[sflag:s13] =	ssyncset.done $0x0  }
0x112: {  	s29 =	simm.s32 $0x3F80;
	[sflag:s13] =	ssyncadd.s32 $0xFFFFD800  }
0x113: {  	[spmem:s3] =	stream.indirect.scatter.add.f32 [tilespmem:s17], [sflag:$0x4], $0x80, s29, s16, $0xb8;
	[tilespmem:$0x1FC80] =	vst v63  }
0x114: {  	_ =	swait.ge [sflag:s25], $0x2800  }
0x115: {  	[sflag:s25] =	ssyncset.done $0x0  }
0x116: {  	[sflag:s25] =	ssyncadd.s32 $0xFFFFD800  }
0x117: {  	_ =	swait.ge [sflag:s22], $0x2800  }
0x118: {  	[sflag:s22] =	ssyncset.done $0x0  }
0x119: {  	s29 =	simm.s32 $0x0;
	s30 =	rddreg [dreg:$0x13];
	[sflag:s22] =	ssyncadd.s32 $0xFFFFD800  }
0x11a: {  	[tilespmem:s29], [sflag:$0x1] =	stream.linear.gather [hbm4b:s30+s29], $0x1E80, $0x38;
	[tilespmem:$0x1FC80] =	vst v63  }
0x11b: {  	s30 =	rddreg [dreg:$0x14]  }
0x11c: {  	[tilespmem:s12], [sflag:$0x2] =	stream.linear.gather [hbm4b:s30+s29], $0x1E80, $0x38;
	[tilespmem:$0x1FC80] =	vst v63  }
0x11d: {  	_ =	swait.ge [sflag:s13], $0x1E80  }
0x11e: {  	[sflag:s13] =	ssyncset.done $0x0  }
0x11f: {  	[sflag:s13] =	ssyncadd.s32 $0xFFFFE180  }
0x120: {  	_ =	swait.ge [sflag:s14], $0x1E80  }
0x121: {  	[sflag:s14] =	ssyncset.done $0x0  }
0x122: {  	[sflag:s14] =	ssyncadd.s32 $0xFFFFE180  }
0x123: {  	[tilespmem:s17], [sflag:$0x1] =	stream.indirect.gather [hbm4b:s2+s16], $0x80, s29, s16, $0xb8;
	[tilespmem:$0x1FC80] =	vst v63  }
0x124: {  	_ = 	snop  }
0x125: {  	[tilespmem:s19], [sflag:$0x2] =	stream.indirect.gather [hbm4b:s2+s16], $0x80, s18, s16, $0xb8;
	[tilespmem:$0x1FC80] =	vst v63  }
0x126: {  	_ =	swait.ge [sflag:s13], $0x2800  }
0x127: {  	[sflag:s13] =	ssyncset.done $0x0  }
0x128: {  	[sflag:s13] =	ssyncadd.s32 $0xFFFFD800  }
0x129: {  	[spmem:s3] =	stream.indirect.scatter.add.f32 [tilespmem:s17], [sflag:$0x4], $0x80, s12, s16, $0xb8;
	[tilespmem:$0x1FC80] =	vst v63  }
0x12a: {  	_ = 	snop  }
0x12b: {  	[tilespmem:s21], [sflag:$0x3] =	stream.indirect.gather [hbm4b:s2+s16], $0x80, s20, s16, $0xb8;
	[tilespmem:$0x1FC80] =	vst v63  }
0x12c: {  	_ =	swait.ge [sflag:s14], $0x2800  }
0x12d: {  	[sflag:s14] =	ssyncset.done $0x0  }
0x12e: {  	s29 =	simm.s32 $0x2080;
	[sflag:s14] =	ssyncadd.s32 $0xFFFFD800  }
0x12f: {  	[spmem:s3] =	stream.indirect.scatter.add.f32 [tilespmem:s19], [sflag:$0x5], $0x80, s29, s16, $0xb8;
	[tilespmem:$0x1FC80] =	vst v63  }
0x130: {  	_ =	swait.ge [sflag:s22], $0x2800  }
0x131: {  	[sflag:s22] =	ssyncset.done $0x0  }
0x132: {  	s29 =	simm.s32 $0x180;
	[sflag:s22] =	ssyncadd.s32 $0xFFFFD800  }
0x133: {  	[tilespmem:s17], [sflag:$0x1] =	stream.indirect.gather [hbm4b:s2+s16], $0x80, s29, s16, $0xb8;
	[tilespmem:$0x1FC80] =	vst v63  }
0x134: {  	_ =	swait.ge [sflag:s15], $0x2800  }
0x135: {  	[sflag:s15] =	ssyncset.done $0x0  }
0x136: {  	s29 =	simm.s32 $0x2100;
	[sflag:s15] =	ssyncadd.s32 $0xFFFFD800  }
0x137: {  	[spmem:s3] =	stream.indirect.scatter.add.f32 [tilespmem:s21], [sflag:$0x6], $0x80, s29, s16, $0xb8;
	[tilespmem:$0x1FC80] =	vst v63  }
0x138: {  	_ =	swait.ge [sflag:s24], $0x2800  }
0x139: {  	[sflag:s24] =	ssyncset.done $0x0  }
0x13a: {  	s29 =	simm.s32 $0x200;
	[sflag:s24] =	ssyncadd.s32 $0xFFFFD800  }
0x13b: {  	[tilespmem:s19], [sflag:$0x2] =	stream.indirect.gather [hbm4b:s2+s16], $0x80, s29, s16, $0xb8;
	[tilespmem:$0x1FC80] =	vst v63  }
0x13c: {  	_ =	swait.ge [sflag:s13], $0x2800  }
0x13d: {  	[sflag:s13] =	ssyncset.done $0x0  }
0x13e: {  	s29 =	simm.s32 $0x2180;
	[sflag:s13] =	ssyncadd.s32 $0xFFFFD800  }
0x13f: {  	[spmem:s3] =	stream.indirect.scatter.add.f32 [tilespmem:s17], [sflag:$0x4], $0x80, s29, s16, $0xb8;
	[tilespmem:$0x1FC80] =	vst v63  }
0x140: {  	_ =	swait.ge [sflag:s25], $0x2800  }
0x141: {  	[sflag:s25] =	ssyncset.done $0x0  }
0x142: {  	s30 =	simm.s32 $0x280;
	s29 =	simm.s32 $0x600;
	[sflag:s25] =	ssyncadd.s32 $0xFFFFD800  }
.LBB2_6:
0x143: {  	[tilespmem:s21], [sflag:$0x3] =	stream.indirect.gather [hbm4b:s2+s16], $0x80, s30, s16, $0xb8;
	[tilespmem:$0x1FC80] =	vst v63  }
0x144: {  	s30 =	smov.u32 s29  }
0x145: {  	p1 =	sne.s32 s29, $0x6C00;
	s29 =	sadd.s32 $0x600, s29;
	_ =	swait.ge [sflag:s14], $0x2800  }
0x146: {  	s30 =	sshra.s32 s30, $0x2;
	[sflag:s14] =	ssyncset.done $0x0  }
0x147: {  	s31 =	sadd.s32 $0x2080, s30;
	[sflag:s14] =	ssyncadd.s32 $0xFFFFD800  }
0x148: {  	[spmem:s3] =	stream.indirect.scatter.add.f32 [tilespmem:s19], [sflag:$0x5], $0x80, s31, s16, $0xb8;
	[tilespmem:$0x1FC80] =	vst v63  }
0x149: {  	_ =	swait.ge [sflag:s22], $0x2800  }
0x14a: {  	[sflag:s22] =	ssyncset.done $0x0  }
0x14b: {  	s31 =	sadd.s32 $0x180, s30;
	[sflag:s22] =	ssyncadd.s32 $0xFFFFD800  }
0x14c: {  	[tilespmem:s17], [sflag:$0x1] =	stream.indirect.gather [hbm4b:s2+s16], $0x80, s31, s16, $0xb8;
	[tilespmem:$0x1FC80] =	vst v63  }
0x14d: {  	_ =	swait.ge [sflag:s15], $0x2800  }
0x14e: {  	[sflag:s15] =	ssyncset.done $0x0  }
0x14f: {  	s31 =	sadd.s32 $0x2100, s30;
	[sflag:s15] =	ssyncadd.s32 $0xFFFFD800  }
0x150: {  	[spmem:s3] =	stream.indirect.scatter.add.f32 [tilespmem:s21], [sflag:$0x6], $0x80, s31, s16, $0xb8;
	[tilespmem:$0x1FC80] =	vst v63  }
0x151: {  	_ =	swait.ge [sflag:s24], $0x2800  }
0x152: {  	[sflag:s24] =	ssyncset.done $0x0  }
0x153: {  	s31 =	sadd.s32 $0x200, s30;
	[sflag:s24] =	ssyncadd.s32 $0xFFFFD800  }
0x154: {  	[tilespmem:s19], [sflag:$0x2] =	stream.indirect.gather [hbm4b:s2+s16], $0x80, s31, s16, $0xb8;
	[tilespmem:$0x1FC80] =	vst v63  }
0x155: {  	_ =	swait.ge [sflag:s13], $0x2800  }
0x156: {  	[sflag:s13] =	ssyncset.done $0x0  }
.Ltmp2:
0x157: {  	s31 =	sadd.s32 $0x2180, s30;
	[sflag:s13] =	ssyncadd.s32 $0xFFFFD800;
	(pc) =	sbr.rel @p1 .LBB2_6-.Ltmp2, $4  }
0x158: {  	[spmem:s3] =	stream.indirect.scatter.add.f32 [tilespmem:s17], [sflag:$0x4], $0x80, s31, s16, $0xb8;
	[tilespmem:$0x1FC80] =	vst v63  }
0x159: {  	_ =	swait.ge [sflag:s25], $0x2800  }
0x15a: {  	[sflag:s25] =	ssyncset.done $0x0  }
0x15b: {  	s30 =	sadd.s32 $0x280, s30;
	[sflag:s25] =	ssyncadd.s32 $0xFFFFD800  }
0x15c: {  	[tilespmem:s21], [sflag:$0x3] =	stream.indirect.gather [hbm4b:s2+s16], $0x80, s30, s16, $0xb8;
	[tilespmem:$0x1FC80] =	vst v63  }
0x15d: {  	_ =	swait.ge [sflag:s14], $0x2800  }
0x15e: {  	[sflag:s14] =	ssyncset.done $0x0  }
0x15f: {  	s29 =	simm.s32 $0x3D00;
	[sflag:s14] =	ssyncadd.s32 $0xFFFFD800  }
0x160: {  	[spmem:s3] =	stream.indirect.scatter.add.f32 [tilespmem:s19], [sflag:$0x5], $0x80, s29, s16, $0xb8;
	[tilespmem:$0x1FC80] =	vst v63  }
0x161: {  	_ =	swait.ge [sflag:s22], $0x2800  }
0x162: {  	[sflag:s22] =	ssyncset.done $0x0  }
0x163: {  	s31 =	simm.s32 $0x1E00;
	[sflag:s22] =	ssyncadd.s32 $0xFFFFD800  }
0x164: {  	[tilespmem:s17], [sflag:$0x1] =	stream.indirect.gather [hbm4b:s2+s16], $0x80, s31, s16, $0xb8;
	[tilespmem:$0x1FC80] =	vst v63  }
0x165: {  	_ =	swait.ge [sflag:s15], $0x2800  }
0x166: {  	[sflag:s15] =	ssyncset.done $0x0  }
0x167: {  	s30 =	simm.s32 $0x3D80;
	[sflag:s15] =	ssyncadd.s32 $0xFFFFD800  }
0x168: {  	[spmem:s3] =	stream.indirect.scatter.add.f32 [tilespmem:s21], [sflag:$0x6], $0x80, s30, s16, $0xb8;
	[tilespmem:$0x1FC80] =	vst v63  }
0x169: {  	_ =	swait.ge [sflag:s24], $0x2800  }
0x16a: {  	[sflag:s24] =	ssyncset.done $0x0  }
0x16b: {  	[sflag:s24] =	ssyncadd.s32 $0xFFFFD800  }
0x16c: {  	_ =	swait.ge [sflag:s13], $0x2800  }
0x16d: {  	[sflag:s13] =	ssyncset.done $0x0  }
0x16e: {  	s31 =	simm.s32 $0x3E00;
	[sflag:s13] =	ssyncadd.s32 $0xFFFFD800  }
0x16f: {  	[spmem:s3] =	stream.indirect.scatter.add.f32 [tilespmem:s17], [sflag:$0x4], $0x80, s31, s16, $0xb8;
	[tilespmem:$0x1FC80] =	vst v63  }
0x170: {  	_ =	swait.ge [sflag:s25], $0x2800  }
0x171: {  	[sflag:s25] =	ssyncset.done $0x0  }
0x172: {  	[sflag:s25] =	ssyncadd.s32 $0xFFFFD800  }
0x173: {  	_ =	swait.ge [sflag:s22], $0x2800  }
0x174: {  	[sflag:s22] =	ssyncset.done $0x0  }
0x175: {  	s30 =	stileid.u32;
	[sflag:s22] =	ssyncadd.s32 $0xFFFFD800  }
0x176: {  	s29 =	sshll.u32 s30, $0x6;
	[bflag:$0x0] =	sbarrier.arrive $0xFFFF  }
0x177: {  	s30 =	sshrl.u32 s5, $0x3;
	s29 =	sor.u32 $0x1C07, s29;
	s31 =	rddreg [dreg:$0x17]  }
0x178: {  	[hbm:s31], [sflag:s29] =	dma.local [spmem:s30], $0x2700  }
0x179: {  	_ =	swait.ge [sflag:s26], $0x2700  }
0x17a: {  	[sflag:s26] =	ssyncset.done $0x0  }
0x17b: {  	s30 =	sadd.s32 @!p0 $0x27000, s23;
	s31 =	sshrl.u32 @!p0 s10, $0x3;
	[sflag:s26] =	ssyncadd.s32 $0xFFFFD900  }
0x17c: {  	[hbm:s30], [sflag:s29] =	dma.local @!p0 [spmem:s31], $0x100  }
0x17d: {  	s29 =	simm.s32 @!p0 $0x7  }
0x17e: {  	_ =	swait.ge @!p0 [sflag:s29], $0x100  }
0x17f: {  	s28 =	sadd.s32 $0x1, s28;
	s31 =	rddreg [dreg:$0x16]  }
0x180: {  	p1 =	sne.s32 s28, s31  }
.Ltmp3:
0x181: {  	_ = 	snop;
	(pc) =	sbr.rel @p1 .LBB2_1-.Ltmp3, $3  }
0x182: {  	_ =	sdelay $0x1  }
0x183: {  	[sflag:s29] =	ssyncset.done @!p0 $0x0  }
0x184: {  	[sflag:s29] =	ssyncadd.s32 @!p0 $0xFFFFFF00  }
0x185: {  	_ =	sfence.sel $0x180000  }
0x186: {  	[bflag:$0x0] =	sbarrier.arrive $0xFFFF  }
0x187: {  	_ =	strace $0x90000047  }
0x188: {  	s0 =	stileid.u32;
	[bflag:$0x2] =	sbarrier.arrive $0xFFFF  }
0x189: {  	p0 =	sne.s32 s0, $0x0;
	s0 =	rddreg [dreg:$0x4]  }
0x18a: {  	s0 =	sadd.s32 @!p0 $0x100000, s0  }
0x18b: {  	[sflag:s0] =	ssyncadd.tile.s32 @!p0 $0x1;
	_ =	shalt  }
.Lfunc_end2:
_tile_overlayer_lowered:
.L_overlay_start_2:
0x18c: {  	(tag) =	ssettag $0x2  }
0x18d: {  	s0 =	rddreg [dreg:$0x0];
	s2 =	stileid.u32  }
0x18e: {  	s1 =	rddreg [dreg:$0x1];
	p0 =	sne.s32 s2, $0x0  }
0x18f: {  	s3 =	rddreg [dreg:$0x2];
	[bflag:$0x3] =	sbarrier.arrive $0xFFFF;
	s2 =	simm.s32 @!p0 $0x1C07  }
0x190: {  	[timem:s3], [sflag:s2] =	dma.local @!p0 [hbm:s0], s1  }
0x191: {  	s0 =	simm.s32 @!p0 $0x7  }
0x192: {  	_ =	swait.ge @!p0 [sflag:s0], s1  }
0x193: {  	s1 =	ssub.s32 @!p0 $0x0, s1;
	[sflag:s0] =	ssyncset.done @!p0 $0x0  }
0x194: {  	[sflag:s0] =	ssyncadd.s32 @!p0 s1  }
0x195: {  	[bflag:$0x3] =	sbarrier.arrive $0xFFFF  }
0x196: {  	_ =	shalt  }

</sc_bundles>
